<compile_context>
chip_gen: v7x
topology: tpu7x:2x2x1
jax: 0.10.2.dev20260603
libtpu: 0.0.44.dev20260713+nightly
codegen_flags: <defaults>
</compile_context>

<pallas_src>
import functools

import jax
import jax.numpy as jnp
from jax import lax
from jax.experimental import pallas as pl
from jax.experimental.pallas import tpu as pltpu
from jax.experimental.pallas import tpu_sc as plsc

N = 10000
NPAD = 10240
E = 320000
EPAD = 327680
D = 128
G = 64
NI = 3

NC = 2
NS = 16
NW = NC * NS

EW = EPAD // NW
ECH = 128
NCH = EW // ECH
NSL = NPAD // NS
ECH3 = 64
NCH3 = EW // ECH3
KB = 4

_mesh = plsc.VectorSubcoreMesh(core_axis_name="c", subcore_axis_name="s")


@functools.partial(
    pl.kernel,
    out_type=jax.ShapeDtypeStruct((NC * NPAD,), jnp.float32),
    mesh=_mesh,
    compiler_params=pltpu.CompilerParams(needs_layout_passes=False),
    scratch_types=[
        pltpu.VMEM((NCH, ECH), jnp.int32),
        pltpu.VMEM((ECH,), jnp.float32),
        pltpu.VMEM((NSL,), jnp.float32),
        pltpu.VMEM_SHARED((NPAD,), jnp.float32),
    ],
)
def _k1_deg(dst_r, ones128, zflat, out_hbm, dsti, ones_v, zv, deg_sh):
    c = lax.axis_index("c")
    s = lax.axis_index("s")
    w = s * NC + c
    pltpu.sync_copy(zflat.at[pl.ds(s * NSL, NSL)], zv)
    pltpu.sync_copy(zv, deg_sh.at[pl.ds(s * NSL, NSL)])
    pltpu.sync_copy(ones128, ones_v)
    pltpu.sync_copy(dst_r.at[pl.ds(w * NCH, NCH)], dsti)
    plsc.subcore_barrier()

    @pl.loop(0, NCH)
    def _(j):
        pltpu.sync_copy(ones_v, deg_sh.at[dsti.at[j]], add=True)

    plsc.subcore_barrier()
    pltpu.sync_copy(deg_sh.at[pl.ds(s * NSL, NSL)], zv)
    pltpu.sync_copy(zv, out_hbm.at[pl.ds(c * NPAD + s * NSL, NSL)])


P3 = 4
PCH = NCH3 // P3


@functools.partial(
    pl.kernel,
    out_type=jax.ShapeDtypeStruct((NC * NPAD, D), jnp.float32),
    mesh=_mesh,
    compiler_params=pltpu.CompilerParams(needs_layout_passes=False),
    scratch_types=[
        pltpu.VMEM((PCH, ECH3), jnp.int32),
        pltpu.VMEM((PCH, ECH3), jnp.int32),
        pltpu.VMEM((KB, ECH3, D), jnp.float32),
        pltpu.VMEM_SHARED((NPAD, D), jnp.float32),
        pltpu.SemaphoreType.DMA((KB,)),
        pltpu.SemaphoreType.DMA((KB,)),
    ],
)
def _k3_edge(src_r, dst_r, xs_hbm, zrows, out_hbm,
             srci, dsti, rows, acc_sh, gsem, ssem):
    c = lax.axis_index("c")
    s = lax.axis_index("s")
    w = s * NC + c
    pltpu.sync_copy(zrows, rows.at[0])

    @pl.loop(0, NSL // ECH3)
    def _(j):
        pltpu.sync_copy(
            rows.at[0], acc_sh.at[pl.ds(s * NSL + j * ECH3, ECH3)])

    plsc.subcore_barrier()

    @pl.loop(0, P3)
    def _(p):
        pltpu.sync_copy(src_r.at[pl.ds(w * NCH3 + p * PCH, PCH)], srci)
        pltpu.sync_copy(dst_r.at[pl.ds(w * NCH3 + p * PCH, PCH)], dsti)

        @pl.loop(0, PCH // KB)
        def _(m):
            @pl.loop(0, KB)
            def _(b):
                j = m * KB + b

                @pl.when(m > 0)
                def _():
                    pltpu.make_async_copy(
                        rows.at[b], acc_sh.at[dsti.at[j - KB]],
                        ssem.at[b]).wait()

                pltpu.async_copy(xs_hbm.at[srci.at[j]], rows.at[b], gsem.at[b])

            @pl.loop(0, KB)
            def _(b):
                j = m * KB + b
                pltpu.make_async_copy(
                    xs_hbm.at[srci.at[j]], rows.at[b], gsem.at[b]).wait()
                pltpu.async_copy(
                    rows.at[b], acc_sh.at[dsti.at[j]], ssem.at[b], add=True)

        @pl.loop(0, KB)
        def _(b):
            j = PCH - KB + b
            pltpu.make_async_copy(
                rows.at[b], acc_sh.at[dsti.at[j]], ssem.at[b]).wait()

    plsc.subcore_barrier()

    @pl.loop(0, NSL // ECH3)
    def _(j):
        pltpu.sync_copy(acc_sh.at[pl.ds(s * NSL + j * ECH3, ECH3)], rows.at[0])
        pltpu.sync_copy(
            rows.at[0], out_hbm.at[pl.ds(c * NPAD + s * NSL + j * ECH3, ECH3)])


@functools.partial(
    pl.kernel,
    out_type=jax.ShapeDtypeStruct((NC * NI * NPAD,), jnp.float32),
    mesh=_mesh,
    compiler_params=pltpu.CompilerParams(needs_layout_passes=False),
    scratch_types=[
        pltpu.VMEM((EW,), jnp.int32),
        pltpu.VMEM((EW,), jnp.int32),
        pltpu.VMEM((NI * NPAD,), jnp.float32),
        pltpu.VMEM((ECH,), jnp.float32),
        pltpu.VMEM((ECH,), jnp.int32),
        pltpu.VMEM((NI * NSL,), jnp.float32),
        pltpu.VMEM_SHARED((NI * NPAD,), jnp.float32),
    ],
)
def _k5_edge_t(src_f, dst_f, t3f, zflat3, out_hbm,
               srci, dsti, tv, vals, dsto, zv, agg_sh):
    c = lax.axis_index("c")
    s = lax.axis_index("s")
    w = s * NC + c
    pltpu.sync_copy(zflat3.at[pl.ds(s * NI * NSL, NI * NSL)], zv)
    pltpu.sync_copy(zv, agg_sh.at[pl.ds(s * NI * NSL, NI * NSL)])
    pltpu.sync_copy(t3f, tv)
    pltpu.sync_copy(src_f.at[pl.ds(w * EW, EW)], srci)
    pltpu.sync_copy(dst_f.at[pl.ds(w * EW, EW)], dsti)
    plsc.subcore_barrier()

    for i in range(NI):
        @pl.loop(0, NCH)
        def _(j):
            @pl.loop(0, ECH // 16)
            def _(k):
                sv = srci[pl.ds(j * ECH + k * 16, 16)] + i * NPAD
                vals[pl.ds(k * 16, 16)] = plsc.load_gather(tv, [sv])
                dsto[pl.ds(k * 16, 16)] = (
                    dsti[pl.ds(j * ECH + k * 16, 16)] + i * NPAD)

            pltpu.sync_copy(vals, agg_sh.at[dsto], add=True)

    plsc.subcore_barrier()
    pltpu.sync_copy(agg_sh.at[pl.ds(s * NI * NSL, NI * NSL)], zv)
    pltpu.sync_copy(
        zv, out_hbm.at[pl.ds(c * NI * NPAD + s * NI * NSL, NI * NSL)])


def _k2_body(degp_ref, x_ref, xs_ref):
    degp = degp_ref[...]
    deg = degp[0] + degp[1] + 1.0
    dinv = lax.rsqrt(deg)
    xs_ref[...] = x_ref[...] * dinv


def _k2_scale(degp, x_pad):
    B = 1024
    grid = NPAD // B
    return pl.pallas_call(
        _k2_body,
        grid=(grid,),
        in_specs=[
            pl.BlockSpec((NC, B, 1), lambda i: (0, i, 0)),
            pl.BlockSpec((B, D), lambda i: (i, 0)),
        ],
        out_specs=pl.BlockSpec((B, D), lambda i: (i, 0)),
        out_shape=jax.ShapeDtypeStruct((NPAD, D), jnp.float32),
    )(degp, x_pad)


def _k4_body(degp_ref, accp_ref, x_ref, wg_ref, bg_ref, wrr_ref,
             g_ref, t_ref, r_ref):
    degp = degp_ref[...]
    deg = degp[0] + degp[1] + 1.0
    dinv = lax.rsqrt(deg)
    accp = accp_ref[...]
    y = dinv * (accp[0] + accp[1]) + (dinv * dinv) * x_ref[...]
    wrr = wrr_ref[...]
    for i in range(NI):
        gi = jnp.maximum(
            jax.lax.dot_general(
                y, wg_ref[i], (((1,), (0,)), ((), ())),
                precision=lax.Precision.HIGHEST,
                preferred_element_type=jnp.float32) + bg_ref[i], 0.0)
        g_ref[i] = gi
        tr = jax.lax.dot_general(
            gi, wrr, (((1,), (0,)), ((), ())),
            precision=lax.Precision.HIGHEST,
            preferred_element_type=jnp.float32)
        t_ref[i] = tr[:, 0]
        r_ref[i] = tr[:, 1]


def _k4_layers(degp, accp, x_pad, W_gcn, b_gcn, Wrr):
    B = 1024
    grid = NPAD // B
    return pl.pallas_call(
        _k4_body,
        grid=(grid,),
        in_specs=[
            pl.BlockSpec((NC, B, 1), lambda i: (0, i, 0)),
            pl.BlockSpec((NC, B, D), lambda i: (0, i, 0)),
            pl.BlockSpec((B, D), lambda i: (i, 0)),
            pl.BlockSpec((NI, D, D), lambda i: (0, 0, 0)),
            pl.BlockSpec((NI, D), lambda i: (0, 0)),
            pl.BlockSpec((D, 2), lambda i: (0, 0)),
        ],
        out_specs=[
            pl.BlockSpec((NI, B, D), lambda i: (0, i, 0)),
            pl.BlockSpec((NI, B), lambda i: (0, i)),
            pl.BlockSpec((NI, B), lambda i: (0, i)),
        ],
        out_shape=[
            jax.ShapeDtypeStruct((NI, NPAD, D), jnp.float32),
            jax.ShapeDtypeStruct((NI, NPAD), jnp.float32),
            jax.ShapeDtypeStruct((NI, NPAD), jnp.float32),
        ],
    )(degp, accp, x_pad, W_gcn, b_gcn, Wrr)


def _k6_body(g_ref, aggp_ref, r_ref, batch_ref, wgo_ref, bgo_ref,
             a2_ref, ab_ref, batt_ref, out_ref):
    batch = batch_ref[...]
    gid = lax.broadcasted_iota(jnp.int32, (G, NPAD), 0)
    M = batch == gid
    Mf = M.astype(jnp.float32)
    aggp = aggp_ref[...]
    agg = aggp[0] + aggp[1]
    r3 = r_ref[...]
    batt = batt_ref[...]
    wgo = wgo_ref[...]
    bgo = bgo_ref[...]
    a2 = a2_ref[...]
    ab = ab_ref[...]

    neg = jnp.float32(-1e30)
    sc_cols = []
    for i in range(NI):
        xconv = (agg[i] + r3[i])[None, :] + batt
        m = jnp.max(jnp.where(M, xconv, neg), axis=1, keepdims=True)
        mx = jnp.max(jnp.where(M, m, neg), axis=0, keepdims=True)
        e = jnp.exp(jnp.minimum(xconv - mx, 0.0))
        P = Mf * e
        den = jnp.sum(P, axis=1, keepdims=True)
        S = P / (den + 1e-16)
        gx = jax.lax.dot_general(
            S, g_ref[i], (((1,), (0,)), ((), ())),
            precision=lax.Precision.HIGHEST,
            preferred_element_type=jnp.float32)
        gout = jnp.tanh(
            jax.lax.dot_general(
                gx, wgo, (((1,), (0,)), ((), ())),
                precision=lax.Precision.HIGHEST,
                preferred_element_type=jnp.float32) + bgo)
        sc_i = jnp.sum(gout * a2[:, i][None, :], axis=1, keepdims=True)
        sc_cols.append(sc_i + ab[0:1, i:i + 1])
    alls = jnp.concatenate(sc_cols, axis=1)
    mm = jnp.max(alls, axis=1, keepdims=True)
    ee = jnp.exp(alls - mm)
    alpha = ee / jnp.sum(ee, axis=1, keepdims=True)
    rep = jax.lax.dot_general(
        Mf, alpha, (((0,), (0,)), ((), ())),
        precision=lax.Precision.HIGHEST,
        preferred_element_type=jnp.float32)
    total = g_ref[0] * rep[:, 0][:, None]
    for i in range(1, NI):
        total = total + g_ref[i] * rep[:, i][:, None]
    out_ref[...] = total[0:N, :]


def _k6_final(g, aggp, r3, batch2, W_gout, b_gout, a2, ab, batt):
    return pl.pallas_call(
        _k6_body,
        out_shape=jax.ShapeDtypeStruct((N, D), jnp.float32),
    )(g, aggp, r3, batch2, W_gout, b_gout, a2, ab, batt)


def kernel(x, edge_index, batch, W_gcn, b_gcn, W_rel, W_root, b_att,
           W_gout, b_gout, a, a_bias):
    f32 = jnp.float32
    src = edge_index[0].astype(jnp.int32)
    dst = edge_index[1].astype(jnp.int32)
    pad_i = jnp.full((EPAD - E,), N, dtype=jnp.int32)
    src_p = jnp.concatenate([src, pad_i])
    dst_p = jnp.concatenate([dst, pad_i])
    src_r = src_p.reshape(EPAD // ECH, ECH)
    dst_r = dst_p.reshape(EPAD // ECH, ECH)
    src_r3 = src_p.reshape(EPAD // ECH3, ECH3)
    dst_r3 = dst_p.reshape(EPAD // ECH3, ECH3)

    x_pad = jnp.concatenate(
        [x.astype(f32), jnp.zeros((NPAD - N, D), f32)], axis=0)
    batch2 = jnp.concatenate(
        [batch.astype(jnp.int32), jnp.full((NPAD - N,), G, jnp.int32)]
    ).reshape(1, NPAD)

    ones128 = jnp.ones((ECH,), f32)
    zflat = jnp.zeros((NPAD,), f32)
    zrows = jnp.zeros((ECH3, D), f32)
    zflat3 = jnp.zeros((NI * NPAD,), f32)

    degf = _k1_deg(dst_r, ones128, zflat)
    degp = degf.reshape(NC, NPAD, 1)
    xs = _k2_scale(degp, x_pad)

    accf = _k3_edge(src_r3, dst_r3, xs, zrows)
    accp = accf.reshape(NC, NPAD, D)

    Wrr = jnp.concatenate([W_rel.astype(f32), W_root.astype(f32)], axis=1)
    g, t3, r3 = _k4_layers(degp, accp, x_pad, W_gcn.astype(f32),
                           b_gcn.astype(f32), Wrr)

    aggf = _k5_edge_t(src_p, dst_p, t3.reshape(NI * NPAD), zflat3)
    aggp = aggf.reshape(NC, NI, NPAD)

    a2 = a.astype(f32)[0]
    ab = a_bias.astype(f32)[0]
    batt = b_att.astype(f32).reshape(1, 1)
    out = _k6_final(g, aggp, r3, batch2, W_gout.astype(f32),
                    b_gout.astype(f32).reshape(1, D), a2, ab, batt)
    return out

# --- scband reference (transcript-rebuilt; emitter-appended) ---
"""Pipeline reference for scband-ng-gcnconv-15238543966833 (READ-ONLY COPY).

The authoritative reference and input builder live on the scoring server;
editing this copy changes nothing except your own understanding.
"""

import jax, jax.numpy as jnp
import numpy as np

N_NODES = 10000
N_EDGES = 320000
IN_DIM = 128
OUT_DIM = 128
N_ITER = 3
N_GRAPHS = 64


def setup_inputs(seed: int = 0):
    key = jax.random.key(seed)
    ks = jax.random.split(key, 10)
    x = jax.random.normal(ks[0], (N_NODES, IN_DIM), dtype=jnp.float32)
    edge_index = jax.random.randint(ks[1], (2, N_EDGES), 0, N_NODES)
    batch = jnp.sort(jax.random.randint(ks[2], (N_NODES,), 0, N_GRAPHS))
    s_gcn = float(np.sqrt(6.0 / (IN_DIM + OUT_DIM)))
    W_gcn = jax.random.uniform(ks[3], (N_ITER, IN_DIM, OUT_DIM), minval=-s_gcn, maxval=s_gcn, dtype=jnp.float32)
    b_gcn = jnp.zeros((N_ITER, OUT_DIM), dtype=jnp.float32)
    s_att = float(np.sqrt(6.0 / (OUT_DIM + 1)))
    W_rel = jax.random.uniform(ks[4], (OUT_DIM, 1), minval=-s_att, maxval=s_att, dtype=jnp.float32)
    W_root = jax.random.uniform(ks[5], (OUT_DIM, 1), minval=-s_att, maxval=s_att, dtype=jnp.float32)
    b_att = jnp.zeros((1,), dtype=jnp.float32)
    s_g = float(np.sqrt(6.0 / (OUT_DIM + OUT_DIM)))
    W_gout = jax.random.uniform(ks[6], (OUT_DIM, OUT_DIM), minval=-s_g, maxval=s_g, dtype=jnp.float32)
    b_gout = jnp.zeros((OUT_DIM,), dtype=jnp.float32)
    s_a = float(np.sqrt(6.0 / (OUT_DIM + N_ITER)))
    a = jax.random.uniform(ks[7], (1, OUT_DIM, N_ITER), minval=-s_a, maxval=s_a, dtype=jnp.float32)
    a_bias = jnp.zeros((1, 1, N_ITER), dtype=jnp.float32)
    return {"x": x, "edge_index": edge_index, "batch": batch,
            "W_gcn": W_gcn, "b_gcn": b_gcn, "W_rel": W_rel, "W_root": W_root,
            "b_att": b_att, "W_gout": W_gout, "b_gout": b_gout, "a": a, "a_bias": a_bias}


def _gcn_conv(x, W, b, src, dst):
    # PyG GCNConv: add self loops + symmetric normalization deg^-1/2
    n = x.shape[0]
    loop = jnp.arange(n, dtype=src.dtype)
    s = jnp.concatenate([src, loop])
    d = jnp.concatenate([dst, loop])
    deg = jnp.zeros((n,), dtype=x.dtype).at[d].add(1.0)
    dinv = jnp.where(deg > 0, jax.lax.rsqrt(jnp.maximum(deg, 1e-12)), 0.0)
    norm = dinv[s] * dinv[d]
    h = x @ W
    msg = h[s] * norm[:, None]
    out = jax.ops.segment_sum(msg, d, num_segments=n)
    return out + b


def _seg_softmax(s, batch, n_seg):
    m = jax.ops.segment_max(s, batch, num_segments=n_seg)
    e = jnp.exp(s - m[batch])
    den = jax.ops.segment_sum(e, batch, num_segments=n_seg)
    return e / (den[batch] + 1e-16)


def _att_pool(x, src, dst, batch, W_rel, W_root, b_att):
    # GlobalAttentionPool: GraphConv(hidden,1) -> per-graph softmax -> weighted global add pool
    n = x.shape[0]
    agg = jax.ops.segment_sum(x[src], dst, num_segments=n)
    x_conv = agg @ W_rel + x @ W_root + b_att
    scores = _seg_softmax(x_conv, batch, N_GRAPHS)
    gx = jax.ops.segment_sum(x * scores, batch, num_segments=N_GRAPHS)
    return gx


def reference(x, edge_index, batch, W_gcn, b_gcn, W_rel, W_root, b_att, W_gout, b_gout, a, a_bias):
    src, dst = edge_index[0], edge_index[1]
    out_list = []
    gout_list = []
    for i in range(N_ITER):
        gcn_out = jax.nn.relu(_gcn_conv(x, W_gcn[i], b_gcn[i], src, dst))
        gout = _att_pool(gcn_out, src, dst, batch, W_rel, W_root, b_att)
        out_list.append(gcn_out)
        gout_list.append(jnp.tanh(gout @ W_gout + b_gout))
    gout_all = jnp.stack(gout_list, axis=-1)   # [G, out_dim, n_iter]
    out_all = jnp.stack(out_list, axis=-1)     # [N, out_dim, n_iter]
    scores = jnp.sum(gout_all * a, axis=1, keepdims=True) + a_bias  # [G,1,n_iter]
    scores = jax.nn.softmax(scores, axis=-1)
    counts = jnp.bincount(batch, length=N_GRAPHS)
    scores_rep = jnp.repeat(scores, counts, axis=0, total_repeat_length=x.shape[0])  # [N,1,n_iter]
    out = jnp.sum(out_all * scores_rep, axis=-1)
    return out

if __name__ == "__main__":
    import jax
    _d = setup_inputs()
    print(jax.jit(kernel)(*tuple(_d.values())))

</pallas_src>

<mosaic_0001>
#map = affine_map<(d0, d1) -> (0)>
module attributes {stable_mosaic.version = 14 : i64} {
  func.func @_k5_edge_t(%arg0: i32, %arg1: i32, %arg2: memref<327680xi32, #tpu.memory_space<hbm>>, %arg3: memref<327680xi32, #tpu.memory_space<hbm>>, %arg4: memref<30720xf32, #tpu.memory_space<hbm>>, %arg5: memref<30720xf32, #tpu.memory_space<hbm>>, %arg6: memref<61440xf32, #tpu.memory_space<hbm>>, %arg7: memref<10240xi32, #tpu.memory_space<vmem>>, %arg8: memref<10240xi32, #tpu.memory_space<vmem>>, %arg9: memref<30720xf32, #tpu.memory_space<vmem>>, %arg10: memref<128xf32, #tpu.memory_space<vmem>>, %arg11: memref<128xi32, #tpu.memory_space<vmem>>, %arg12: memref<1920xf32, #tpu.memory_space<vmem>>, %arg13: memref<30720xf32, #tpu.memory_space<vmem_shared>>) attributes {dimension_semantics = [#tpu.dimension_semantics<core_parallel>, #tpu.dimension_semantics<subcore_parallel>], iteration_bounds = array<i64: 2, 16>, scalar_prefetch = 0 : i64, scratch_operands = 7 : i64, tpu.core_type = #tpu.core_type<sc_vector_subcore>, window_params = [{transform_indices = #map}, {transform_indices = #map}, {transform_indices = #map}, {transform_indices = #map}, {transform_indices = #map}]} {
    %mul3A = arith.constant 2 : i32
    %mul3A_0 = arith.muli %arg1, %mul3A : i32
    %add3A = arith.addi %mul3A_0, %arg0 : i32
    %mul3A_1 = arith.constant 3 : i32
    %mul3A_2 = arith.muli %arg1, %mul3A_1 : i32
    %mul3A_3 = arith.constant 640 : i32
    %mul3A_4 = arith.muli %mul3A_2, %mul3A_3 : i32
    "tpu.region"() ({
      %run_scoped3A = tpu.sem_alloc : memref<!tpu.dma_semaphore, #tpu.memory_space<semaphore_mem>>
      %dma_start3A = tpu.memref_slice %arg5[%mul3A_4] : memref<30720xf32, #tpu.memory_space<hbm>> -> memref<1920xf32, #tpu.memory_space<hbm>>
      %dma_start3A_41 = tpu.memref_slice %arg5[%mul3A_4] : memref<30720xf32, #tpu.memory_space<hbm>> -> memref<1920xf32, #tpu.memory_space<hbm>>
      tpu.enqueue_dma source(%dma_start3A_41 : memref<1920xf32, #tpu.memory_space<hbm>>) target(%arg12 : memref<1920xf32, #tpu.memory_space<vmem>>) target_semaphore(%run_scoped3A : memref<!tpu.dma_semaphore, #tpu.memory_space<semaphore_mem>>)
      %dma_wait3A = tpu.memref_slice %arg5[%mul3A_4] : memref<30720xf32, #tpu.memory_space<hbm>> -> memref<1920xf32, #tpu.memory_space<hbm>>
      %dma_wait3A_42 = tpu.memref_slice %arg5[%mul3A_4] : memref<30720xf32, #tpu.memory_space<hbm>> -> memref<1920xf32, #tpu.memory_space<hbm>>
      tpu.wait_dma2 semaphore(%run_scoped3A : memref<!tpu.dma_semaphore, #tpu.memory_space<semaphore_mem>>) src(%dma_wait3A_42 : memref<1920xf32, #tpu.memory_space<hbm>>) dst(%arg12 : memref<1920xf32, #tpu.memory_space<vmem>>)
      tpu.yield
    }) : () -> ()
    %mul3A_5 = arith.constant 3 : i32
    %mul3A_6 = arith.muli %arg1, %mul3A_5 : i32
    %mul3A_7 = arith.constant 640 : i32
    %mul3A_8 = arith.muli %mul3A_6, %mul3A_7 : i32
    "tpu.region"() ({
      %run_scoped3A = tpu.sem_alloc : memref<!tpu.dma_semaphore, #tpu.memory_space<semaphore_mem>>
      %dma_start3A = tpu.memref_slice %arg13[%mul3A_8] : memref<30720xf32, #tpu.memory_space<vmem_shared>> -> memref<1920xf32, #tpu.memory_space<vmem_shared>>
      %dma_start3A_41 = tpu.memref_slice %arg13[%mul3A_8] : memref<30720xf32, #tpu.memory_space<vmem_shared>> -> memref<1920xf32, #tpu.memory_space<vmem_shared>>
      tpu.enqueue_dma source(%arg12 : memref<1920xf32, #tpu.memory_space<vmem>>) target(%dma_start3A_41 : memref<1920xf32, #tpu.memory_space<vmem_shared>>) target_semaphore(%run_scoped3A : memref<!tpu.dma_semaphore, #tpu.memory_space<semaphore_mem>>)
      %dma_wait3A = tpu.memref_slice %arg13[%mul3A_8] : memref<30720xf32, #tpu.memory_space<vmem_shared>> -> memref<1920xf32, #tpu.memory_space<vmem_shared>>
      %dma_wait3A_42 = tpu.memref_slice %arg13[%mul3A_8] : memref<30720xf32, #tpu.memory_space<vmem_shared>> -> memref<1920xf32, #tpu.memory_space<vmem_shared>>
      tpu.wait_dma2 semaphore(%run_scoped3A : memref<!tpu.dma_semaphore, #tpu.memory_space<semaphore_mem>>) src(%arg12 : memref<1920xf32, #tpu.memory_space<vmem>>) dst(%dma_wait3A_42 : memref<1920xf32, #tpu.memory_space<vmem_shared>>)
      tpu.yield
    }) : () -> ()
    "tpu.region"() ({
      %run_scoped3A = tpu.sem_alloc : memref<!tpu.dma_semaphore, #tpu.memory_space<semaphore_mem>>
      tpu.enqueue_dma source(%arg4 : memref<30720xf32, #tpu.memory_space<hbm>>) target(%arg9 : memref<30720xf32, #tpu.memory_space<vmem>>) target_semaphore(%run_scoped3A : memref<!tpu.dma_semaphore, #tpu.memory_space<semaphore_mem>>)
      tpu.wait_dma2 semaphore(%run_scoped3A : memref<!tpu.dma_semaphore, #tpu.memory_space<semaphore_mem>>) src(%arg4 : memref<30720xf32, #tpu.memory_space<hbm>>) dst(%arg9 : memref<30720xf32, #tpu.memory_space<vmem>>)
      tpu.yield
    }) : () -> ()
    %mul3A_9 = arith.constant 10240 : i32
    %mul3A_10 = arith.muli %add3A, %mul3A_9 : i32
    "tpu.region"() ({
      %run_scoped3A = tpu.sem_alloc : memref<!tpu.dma_semaphore, #tpu.memory_space<semaphore_mem>>
      %dma_start3A = tpu.memref_slice %arg2[%mul3A_10] : memref<327680xi32, #tpu.memory_space<hbm>> -> memref<10240xi32, #tpu.memory_space<hbm>>
      %dma_start3A_41 = tpu.memref_slice %arg2[%mul3A_10] : memref<327680xi32, #tpu.memory_space<hbm>> -> memref<10240xi32, #tpu.memory_space<hbm>>
      tpu.enqueue_dma source(%dma_start3A_41 : memref<10240xi32, #tpu.memory_space<hbm>>) target(%arg7 : memref<10240xi32, #tpu.memory_space<vmem>>) target_semaphore(%run_scoped3A : memref<!tpu.dma_semaphore, #tpu.memory_space<semaphore_mem>>)
      %dma_wait3A = tpu.memref_slice %arg2[%mul3A_10] : memref<327680xi32, #tpu.memory_space<hbm>> -> memref<10240xi32, #tpu.memory_space<hbm>>
      %dma_wait3A_42 = tpu.memref_slice %arg2[%mul3A_10] : memref<327680xi32, #tpu.memory_space<hbm>> -> memref<10240xi32, #tpu.memory_space<hbm>>
      tpu.wait_dma2 semaphore(%run_scoped3A : memref<!tpu.dma_semaphore, #tpu.memory_space<semaphore_mem>>) src(%dma_wait3A_42 : memref<10240xi32, #tpu.memory_space<hbm>>) dst(%arg7 : memref<10240xi32, #tpu.memory_space<vmem>>)
      tpu.yield
    }) : () -> ()
    %mul3A_11 = arith.constant 10240 : i32
    %mul3A_12 = arith.muli %add3A, %mul3A_11 : i32
    "tpu.region"() ({
      %run_scoped3A = tpu.sem_alloc : memref<!tpu.dma_semaphore, #tpu.memory_space<semaphore_mem>>
      %dma_start3A = tpu.memref_slice %arg3[%mul3A_12] : memref<327680xi32, #tpu.memory_space<hbm>> -> memref<10240xi32, #tpu.memory_space<hbm>>
      %dma_start3A_41 = tpu.memref_slice %arg3[%mul3A_12] : memref<327680xi32, #tpu.memory_space<hbm>> -> memref<10240xi32, #tpu.memory_space<hbm>>
      tpu.enqueue_dma source(%dma_start3A_41 : memref<10240xi32, #tpu.memory_space<hbm>>) target(%arg8 : memref<10240xi32, #tpu.memory_space<vmem>>) target_semaphore(%run_scoped3A : memref<!tpu.dma_semaphore, #tpu.memory_space<semaphore_mem>>)
      %dma_wait3A = tpu.memref_slice %arg3[%mul3A_12] : memref<327680xi32, #tpu.memory_space<hbm>> -> memref<10240xi32, #tpu.memory_space<hbm>>
      %dma_wait3A_42 = tpu.memref_slice %arg3[%mul3A_12] : memref<327680xi32, #tpu.memory_space<hbm>> -> memref<10240xi32, #tpu.memory_space<hbm>>
      tpu.wait_dma2 semaphore(%run_scoped3A : memref<!tpu.dma_semaphore, #tpu.memory_space<semaphore_mem>>) src(%dma_wait3A_42 : memref<10240xi32, #tpu.memory_space<hbm>>) dst(%arg8 : memref<10240xi32, #tpu.memory_space<vmem>>)
      tpu.yield
    }) : () -> ()
    %barrier3A = arith.constant 0 : index
    tpu.barrier barrier_id(%barrier3A)
    %scan3A = arith.constant 0 : i32
    %scan3A_13 = arith.constant 80 : i32
    %scan3A_14 = arith.addi %scan3A, %scan3A_13 : i32
    %scan3A_15 = arith.constant 1 : i32
    scf.for %scan3A_41 = %scan3A to %scan3A_14 step %scan3A_15  : i32 {
      %mul3A_42 = arith.constant 1 : i32
      %mul3A_43 = arith.muli %scan3A_41, %mul3A_42 : i32
      %add3A_44 = arith.constant 0 : i32
      %add3A_45 = arith.addi %add3A_44, %mul3A_43 : i32
      %scan3A_46 = arith.constant 0 : i32
      %scan3A_47 = arith.constant 8 : i32
      %scan3A_48 = arith.addi %scan3A_46, %scan3A_47 : i32
      %scan3A_49 = arith.constant 1 : i32
      scf.for %scan3A_51 = %scan3A_46 to %scan3A_48 step %scan3A_49  : i32 {
        %mul3A_52 = arith.constant 1 : i32
        %mul3A_53 = arith.muli %scan3A_51, %mul3A_52 : i32
        %add3A_54 = arith.constant 0 : i32
        %add3A_55 = arith.addi %add3A_54, %mul3A_53 : i32
        %mul3A_56 = arith.constant 128 : i32
        %mul3A_57 = arith.muli %add3A_45, %mul3A_56 : i32
        %mul3A_58 = arith.constant 16 : i32
        %mul3A_59 = arith.muli %add3A_55, %mul3A_58 : i32
        %add3A_60 = arith.addi %mul3A_57, %mul3A_59 : i32
        %get3A = arith.index_cast %add3A_60 : i32 to index
        %get3A_61 = tpu.vector_load %arg7[%get3A] {strides = array<i32>} : memref<10240xi32, #tpu.memory_space<vmem>>, vector<16xi32>,
        %add3A_62 = arith.constant 0 : i32
        %add3A_63 = vector.broadcast %add3A_62 : i32 to vector<16xi32>
        %add3A_64 = arith.addi %get3A_61, %add3A_63 : vector<16xi32>
        %gather3A = tpu.vector_load_idx %arg9[%add3A_64] : memref<30720xf32, #tpu.memory_space<vmem>>[vector<16xi32>], vector<16xf32>,
        %mul3A_65 = arith.constant 16 : i32
        %mul3A_66 = arith.muli %add3A_55, %mul3A_65 : i32
        %swap3A = arith.index_cast %mul3A_66 : i32 to index
        %swap3A_67 = tpu.vector_load %arg10[%swap3A] {strides = array<i32>} : memref<128xf32, #tpu.memory_space<vmem>>, vector<16xf32>,
        tpu.vector_store %arg10[%swap3A], %gather3A {strides = array<i32>} : memref<128xf32, #tpu.memory_space<vmem>>, vector<16xf32>,
        %mul3A_68 = arith.constant 128 : i32
        %mul3A_69 = arith.muli %add3A_45, %mul3A_68 : i32
        %mul3A_70 = arith.constant 16 : i32
        %mul3A_71 = arith.muli %add3A_55, %mul3A_70 : i32
        %add3A_72 = arith.addi %mul3A_69, %mul3A_71 : i32
        %get3A_73 = arith.index_cast %add3A_72 : i32 to index
        %get3A_74 = tpu.vector_load %arg8[%get3A_73] {strides = array<i32>} : memref<10240xi32, #tpu.memory_space<vmem>>, vector<16xi32>,
        %add3A_75 = arith.constant 0 : i32
        %add3A_76 = vector.broadcast %add3A_75 : i32 to vector<16xi32>
        %add3A_77 = arith.addi %get3A_74, %add3A_76 : vector<16xi32>
        %mul3A_78 = arith.constant 16 : i32
        %mul3A_79 = arith.muli %add3A_55, %mul3A_78 : i32
        %swap3A_80 = arith.index_cast %mul3A_79 : i32 to index
        %swap3A_81 = tpu.vector_load %arg11[%swap3A_80] {strides = array<i32>} : memref<128xi32, #tpu.memory_space<vmem>>, vector<16xi32>,
        tpu.vector_store %arg11[%swap3A_80], %add3A_77 {strides = array<i32>} : memref<128xi32, #tpu.memory_space<vmem>>, vector<16xi32>,
      }
      %scan3A_50 = arith.constant 8 : i32
      "tpu.region"() ({
        %run_scoped3A = tpu.sem_alloc : memref<!tpu.dma_semaphore, #tpu.memory_space<semaphore_mem>>
        %dma_start3A = arith.constant 0 : i32
        %dma_start3A_51 = tpu.memref_slice %arg13[%dma_start3A] : memref<30720xf32, #tpu.memory_space<vmem_shared>> -> memref<30720xf32, #tpu.memory_space<vmem_shared>>
        tpu.enqueue_indirect_dma source(%arg10 : memref<128xf32, #tpu.memory_space<vmem>>) target(%dma_start3A_51 : memref<30720xf32, #tpu.memory_space<vmem_shared>>) offsets(%arg11 : memref<128xi32, #tpu.memory_space<vmem>>) semaphore(%run_scoped3A : memref<!tpu.dma_semaphore, #tpu.memory_space<semaphore_mem>>) {add = true}
        %dma_wait3A = arith.constant 0 : i32
        %dma_wait3A_52 = tpu.memref_slice %arg13[%dma_wait3A] : memref<30720xf32, #tpu.memory_space<vmem_shared>> -> memref<30720xf32, #tpu.memory_space<vmem_shared>>
        tpu.wait_indirect_dma semaphore(%run_scoped3A : memref<!tpu.dma_semaphore, #tpu.memory_space<semaphore_mem>>) src(%arg10 : memref<128xf32, #tpu.memory_space<vmem>>) dst(%dma_wait3A_52 : memref<30720xf32, #tpu.memory_space<vmem_shared>>)
        tpu.yield
      }) : () -> ()
    }
    %scan3A_16 = arith.constant 80 : i32
    %scan3A_17 = arith.constant 0 : i32
    %scan3A_18 = arith.constant 80 : i32
    %scan3A_19 = arith.addi %scan3A_17, %scan3A_18 : i32
    %scan3A_20 = arith.constant 1 : i32
    scf.for %scan3A_41 = %scan3A_17 to %scan3A_19 step %scan3A_20  : i32 {
      %mul3A_42 = arith.constant 1 : i32
      %mul3A_43 = arith.muli %scan3A_41, %mul3A_42 : i32
      %add3A_44 = arith.constant 0 : i32
      %add3A_45 = arith.addi %add3A_44, %mul3A_43 : i32
      %scan3A_46 = arith.constant 0 : i32
      %scan3A_47 = arith.constant 8 : i32
      %scan3A_48 = arith.addi %scan3A_46, %scan3A_47 : i32
      %scan3A_49 = arith.constant 1 : i32
      scf.for %scan3A_51 = %scan3A_46 to %scan3A_48 step %scan3A_49  : i32 {
        %mul3A_52 = arith.constant 1 : i32
        %mul3A_53 = arith.muli %scan3A_51, %mul3A_52 : i32
        %add3A_54 = arith.constant 0 : i32
        %add3A_55 = arith.addi %add3A_54, %mul3A_53 : i32
        %mul3A_56 = arith.constant 128 : i32
        %mul3A_57 = arith.muli %add3A_45, %mul3A_56 : i32
        %mul3A_58 = arith.constant 16 : i32
        %mul3A_59 = arith.muli %add3A_55, %mul3A_58 : i32
        %add3A_60 = arith.addi %mul3A_57, %mul3A_59 : i32
        %get3A = arith.index_cast %add3A_60 : i32 to index
        %get3A_61 = tpu.vector_load %arg7[%get3A] {strides = array<i32>} : memref<10240xi32, #tpu.memory_space<vmem>>, vector<16xi32>,
        %add3A_62 = arith.constant 10240 : i32
        %add3A_63 = vector.broadcast %add3A_62 : i32 to vector<16xi32>
        %add3A_64 = arith.addi %get3A_61, %add3A_63 : vector<16xi32>
        %gather3A = tpu.vector_load_idx %arg9[%add3A_64] : memref<30720xf32, #tpu.memory_space<vmem>>[vector<16xi32>], vector<16xf32>,
        %mul3A_65 = arith.constant 16 : i32
        %mul3A_66 = arith.muli %add3A_55, %mul3A_65 : i32
        %swap3A = arith.index_cast %mul3A_66 : i32 to index
        %swap3A_67 = tpu.vector_load %arg10[%swap3A] {strides = array<i32>} : memref<128xf32, #tpu.memory_space<vmem>>, vector<16xf32>,
        tpu.vector_store %arg10[%swap3A], %gather3A {strides = array<i32>} : memref<128xf32, #tpu.memory_space<vmem>>, vector<16xf32>,
        %mul3A_68 = arith.constant 128 : i32
        %mul3A_69 = arith.muli %add3A_45, %mul3A_68 : i32
        %mul3A_70 = arith.constant 16 : i32
        %mul3A_71 = arith.muli %add3A_55, %mul3A_70 : i32
        %add3A_72 = arith.addi %mul3A_69, %mul3A_71 : i32
        %get3A_73 = arith.index_cast %add3A_72 : i32 to index
        %get3A_74 = tpu.vector_load %arg8[%get3A_73] {strides = array<i32>} : memref<10240xi32, #tpu.memory_space<vmem>>, vector<16xi32>,
        %add3A_75 = arith.constant 10240 : i32
        %add3A_76 = vector.broadcast %add3A_75 : i32 to vector<16xi32>
        %add3A_77 = arith.addi %get3A_74, %add3A_76 : vector<16xi32>
        %mul3A_78 = arith.constant 16 : i32
        %mul3A_79 = arith.muli %add3A_55, %mul3A_78 : i32
        %swap3A_80 = arith.index_cast %mul3A_79 : i32 to index
        %swap3A_81 = tpu.vector_load %arg11[%swap3A_80] {strides = array<i32>} : memref<128xi32, #tpu.memory_space<vmem>>, vector<16xi32>,
        tpu.vector_store %arg11[%swap3A_80], %add3A_77 {strides = array<i32>} : memref<128xi32, #tpu.memory_space<vmem>>, vector<16xi32>,
      }
      %scan3A_50 = arith.constant 8 : i32
      "tpu.region"() ({
        %run_scoped3A = tpu.sem_alloc : memref<!tpu.dma_semaphore, #tpu.memory_space<semaphore_mem>>
        %dma_start3A = arith.constant 0 : i32
        %dma_start3A_51 = tpu.memref_slice %arg13[%dma_start3A] : memref<30720xf32, #tpu.memory_space<vmem_shared>> -> memref<30720xf32, #tpu.memory_space<vmem_shared>>
        tpu.enqueue_indirect_dma source(%arg10 : memref<128xf32, #tpu.memory_space<vmem>>) target(%dma_start3A_51 : memref<30720xf32, #tpu.memory_space<vmem_shared>>) offsets(%arg11 : memref<128xi32, #tpu.memory_space<vmem>>) semaphore(%run_scoped3A : memref<!tpu.dma_semaphore, #tpu.memory_space<semaphore_mem>>) {add = true}
        %dma_wait3A = arith.constant 0 : i32
        %dma_wait3A_52 = tpu.memref_slice %arg13[%dma_wait3A] : memref<30720xf32, #tpu.memory_space<vmem_shared>> -> memref<30720xf32, #tpu.memory_space<vmem_shared>>
        tpu.wait_indirect_dma semaphore(%run_scoped3A : memref<!tpu.dma_semaphore, #tpu.memory_space<semaphore_mem>>) src(%arg10 : memref<128xf32, #tpu.memory_space<vmem>>) dst(%dma_wait3A_52 : memref<30720xf32, #tpu.memory_space<vmem_shared>>)
        tpu.yield
      }) : () -> ()
    }
    %scan3A_21 = arith.constant 80 : i32
    %scan3A_22 = arith.constant 0 : i32
    %scan3A_23 = arith.constant 80 : i32
    %scan3A_24 = arith.addi %scan3A_22, %scan3A_23 : i32
    %scan3A_25 = arith.constant 1 : i32
    scf.for %scan3A_41 = %scan3A_22 to %scan3A_24 step %scan3A_25  : i32 {
      %mul3A_42 = arith.constant 1 : i32
      %mul3A_43 = arith.muli %scan3A_41, %mul3A_42 : i32
      %add3A_44 = arith.constant 0 : i32
      %add3A_45 = arith.addi %add3A_44, %mul3A_43 : i32
      %scan3A_46 = arith.constant 0 : i32
      %scan3A_47 = arith.constant 8 : i32
      %scan3A_48 = arith.addi %scan3A_46, %scan3A_47 : i32
      %scan3A_49 = arith.constant 1 : i32
      scf.for %scan3A_51 = %scan3A_46 to %scan3A_48 step %scan3A_49  : i32 {
        %mul3A_52 = arith.constant 1 : i32
        %mul3A_53 = arith.muli %scan3A_51, %mul3A_52 : i32
        %add3A_54 = arith.constant 0 : i32
        %add3A_55 = arith.addi %add3A_54, %mul3A_53 : i32
        %mul3A_56 = arith.constant 128 : i32
        %mul3A_57 = arith.muli %add3A_45, %mul3A_56 : i32
        %mul3A_58 = arith.constant 16 : i32
        %mul3A_59 = arith.muli %add3A_55, %mul3A_58 : i32
        %add3A_60 = arith.addi %mul3A_57, %mul3A_59 : i32
        %get3A = arith.index_cast %add3A_60 : i32 to index
        %get3A_61 = tpu.vector_load %arg7[%get3A] {strides = array<i32>} : memref<10240xi32, #tpu.memory_space<vmem>>, vector<16xi32>,
        %add3A_62 = arith.constant 20480 : i32
        %add3A_63 = vector.broadcast %add3A_62 : i32 to vector<16xi32>
        %add3A_64 = arith.addi %get3A_61, %add3A_63 : vector<16xi32>
        %gather3A = tpu.vector_load_idx %arg9[%add3A_64] : memref<30720xf32, #tpu.memory_space<vmem>>[vector<16xi32>], vector<16xf32>,
        %mul3A_65 = arith.constant 16 : i32
        %mul3A_66 = arith.muli %add3A_55, %mul3A_65 : i32
        %swap3A = arith.index_cast %mul3A_66 : i32 to index
        %swap3A_67 = tpu.vector_load %arg10[%swap3A] {strides = array<i32>} : memref<128xf32, #tpu.memory_space<vmem>>, vector<16xf32>,
        tpu.vector_store %arg10[%swap3A], %gather3A {strides = array<i32>} : memref<128xf32, #tpu.memory_space<vmem>>, vector<16xf32>,
        %mul3A_68 = arith.constant 128 : i32
        %mul3A_69 = arith.muli %add3A_45, %mul3A_68 : i32
        %mul3A_70 = arith.constant 16 : i32
        %mul3A_71 = arith.muli %add3A_55, %mul3A_70 : i32
        %add3A_72 = arith.addi %mul3A_69, %mul3A_71 : i32
        %get3A_73 = arith.index_cast %add3A_72 : i32 to index
        %get3A_74 = tpu.vector_load %arg8[%get3A_73] {strides = array<i32>} : memref<10240xi32, #tpu.memory_space<vmem>>, vector<16xi32>,
        %add3A_75 = arith.constant 20480 : i32
        %add3A_76 = vector.broadcast %add3A_75 : i32 to vector<16xi32>
        %add3A_77 = arith.addi %get3A_74, %add3A_76 : vector<16xi32>
        %mul3A_78 = arith.constant 16 : i32
        %mul3A_79 = arith.muli %add3A_55, %mul3A_78 : i32
        %swap3A_80 = arith.index_cast %mul3A_79 : i32 to index
        %swap3A_81 = tpu.vector_load %arg11[%swap3A_80] {strides = array<i32>} : memref<128xi32, #tpu.memory_space<vmem>>, vector<16xi32>,
        tpu.vector_store %arg11[%swap3A_80], %add3A_77 {strides = array<i32>} : memref<128xi32, #tpu.memory_space<vmem>>, vector<16xi32>,
      }
      %scan3A_50 = arith.constant 8 : i32
      "tpu.region"() ({
        %run_scoped3A = tpu.sem_alloc : memref<!tpu.dma_semaphore, #tpu.memory_space<semaphore_mem>>
        %dma_start3A = arith.constant 0 : i32
        %dma_start3A_51 = tpu.memref_slice %arg13[%dma_start3A] : memref<30720xf32, #tpu.memory_space<vmem_shared>> -> memref<30720xf32, #tpu.memory_space<vmem_shared>>
        tpu.enqueue_indirect_dma source(%arg10 : memref<128xf32, #tpu.memory_space<vmem>>) target(%dma_start3A_51 : memref<30720xf32, #tpu.memory_space<vmem_shared>>) offsets(%arg11 : memref<128xi32, #tpu.memory_space<vmem>>) semaphore(%run_scoped3A : memref<!tpu.dma_semaphore, #tpu.memory_space<semaphore_mem>>) {add = true}
        %dma_wait3A = arith.constant 0 : i32
        %dma_wait3A_52 = tpu.memref_slice %arg13[%dma_wait3A] : memref<30720xf32, #tpu.memory_space<vmem_shared>> -> memref<30720xf32, #tpu.memory_space<vmem_shared>>
        tpu.wait_indirect_dma semaphore(%run_scoped3A : memref<!tpu.dma_semaphore, #tpu.memory_space<semaphore_mem>>) src(%arg10 : memref<128xf32, #tpu.memory_space<vmem>>) dst(%dma_wait3A_52 : memref<30720xf32, #tpu.memory_space<vmem_shared>>)
        tpu.yield
      }) : () -> ()
    }
    %scan3A_26 = arith.constant 80 : i32
    %barrier3A_27 = arith.constant 0 : index
    tpu.barrier barrier_id(%barrier3A_27)
    %mul3A_28 = arith.constant 3 : i32
    %mul3A_29 = arith.muli %arg1, %mul3A_28 : i32
    %mul3A_30 = arith.constant 640 : i32
    %mul3A_31 = arith.muli %mul3A_29, %mul3A_30 : i32
    "tpu.region"() ({
      %run_scoped3A = tpu.sem_alloc : memref<!tpu.dma_semaphore, #tpu.memory_space<semaphore_mem>>
      %dma_start3A = tpu.memref_slice %arg13[%mul3A_31] : memref<30720xf32, #tpu.memory_space<vmem_shared>> -> memref<1920xf32, #tpu.memory_space<vmem_shared>>
      %dma_start3A_41 = tpu.memref_slice %arg13[%mul3A_31] : memref<30720xf32, #tpu.memory_space<vmem_shared>> -> memref<1920xf32, #tpu.memory_space<vmem_shared>>
      tpu.enqueue_dma source(%dma_start3A_41 : memref<1920xf32, #tpu.memory_space<vmem_shared>>) target(%arg12 : memref<1920xf32, #tpu.memory_space<vmem>>) target_semaphore(%run_scoped3A : memref<!tpu.dma_semaphore, #tpu.memory_space<semaphore_mem>>)
      %dma_wait3A = tpu.memref_slice %arg13[%mul3A_31] : memref<30720xf32, #tpu.memory_space<vmem_shared>> -> memref<1920xf32, #tpu.memory_space<vmem_shared>>
      %dma_wait3A_42 = tpu.memref_slice %arg13[%mul3A_31] : memref<30720xf32, #tpu.memory_space<vmem_shared>> -> memref<1920xf32, #tpu.memory_space<vmem_shared>>
      tpu.wait_dma2 semaphore(%run_scoped3A : memref<!tpu.dma_semaphore, #tpu.memory_space<semaphore_mem>>) src(%dma_wait3A_42 : memref<1920xf32, #tpu.memory_space<vmem_shared>>) dst(%arg12 : memref<1920xf32, #tpu.memory_space<vmem>>)
      tpu.yield
    }) : () -> ()
    %mul3A_32 = arith.constant 3 : i32
    %mul3A_33 = arith.muli %arg0, %mul3A_32 : i32
    %mul3A_34 = arith.constant 10240 : i32
    %mul3A_35 = arith.muli %mul3A_33, %mul3A_34 : i32
    %mul3A_36 = arith.constant 3 : i32
    %mul3A_37 = arith.muli %arg1, %mul3A_36 : i32
    %mul3A_38 = arith.constant 640 : i32
    %mul3A_39 = arith.muli %mul3A_37, %mul3A_38 : i32
    %add3A_40 = arith.addi %mul3A_35, %mul3A_39 : i32
    "tpu.region"() ({
      %run_scoped3A = tpu.sem_alloc : memref<!tpu.dma_semaphore, #tpu.memory_space<semaphore_mem>>
      %dma_start3A = tpu.memref_slice %arg6[%add3A_40] : memref<61440xf32, #tpu.memory_space<hbm>> -> memref<1920xf32, #tpu.memory_space<hbm>>
      %dma_start3A_41 = tpu.memref_slice %arg6[%add3A_40] : memref<61440xf32, #tpu.memory_space<hbm>> -> memref<1920xf32, #tpu.memory_space<hbm>>
      tpu.enqueue_dma source(%arg12 : memref<1920xf32, #tpu.memory_space<vmem>>) target(%dma_start3A_41 : memref<1920xf32, #tpu.memory_space<hbm>>) target_semaphore(%run_scoped3A : memref<!tpu.dma_semaphore, #tpu.memory_space<semaphore_mem>>)
      %dma_wait3A = tpu.memref_slice %arg6[%add3A_40] : memref<61440xf32, #tpu.memory_space<hbm>> -> memref<1920xf32, #tpu.memory_space<hbm>>
      %dma_wait3A_42 = tpu.memref_slice %arg6[%add3A_40] : memref<61440xf32, #tpu.memory_space<hbm>> -> memref<1920xf32, #tpu.memory_space<hbm>>
      tpu.wait_dma2 semaphore(%run_scoped3A : memref<!tpu.dma_semaphore, #tpu.memory_space<semaphore_mem>>) src(%arg12 : memref<1920xf32, #tpu.memory_space<vmem>>) dst(%dma_wait3A_42 : memref<1920xf32, #tpu.memory_space<hbm>>)
      tpu.yield
    }) : () -> ()
    return
  }
}

#map = affine_map<(d0, d1) -> (0, 0)>
#map1 = affine_map<(d0, d1) -> (0)>
module attributes {stable_mosaic.version = 14 : i64} {
  func.func @_k1_deg(%arg0: i32, %arg1: i32, %arg2: memref<2560x128xi32, #tpu.memory_space<hbm>>, %arg3: memref<128xf32, #tpu.memory_space<hbm>>, %arg4: memref<10240xf32, #tpu.memory_space<hbm>>, %arg5: memref<20480xf32, #tpu.memory_space<hbm>>, %arg6: memref<80x128xi32, #tpu.memory_space<vmem>>, %arg7: memref<128xf32, #tpu.memory_space<vmem>>, %arg8: memref<640xf32, #tpu.memory_space<vmem>>, %arg9: memref<10240xf32, #tpu.memory_space<vmem_shared>>) attributes {dimension_semantics = [#tpu.dimension_semantics<core_parallel>, #tpu.dimension_semantics<subcore_parallel>], iteration_bounds = array<i64: 2, 16>, scalar_prefetch = 0 : i64, scratch_operands = 4 : i64, tpu.core_type = #tpu.core_type<sc_vector_subcore>, window_params = [{transform_indices = #map}, {transform_indices = #map1}, {transform_indices = #map1}, {transform_indices = #map1}]} {
    %mul3A = arith.constant 2 : i32
    %mul3A_0 = arith.muli %arg1, %mul3A : i32
    %add3A = arith.addi %mul3A_0, %arg0 : i32
    %mul3A_1 = arith.constant 640 : i32
    %mul3A_2 = arith.muli %arg1, %mul3A_1 : i32
    "tpu.region"() ({
      %run_scoped3A = tpu.sem_alloc : memref<!tpu.dma_semaphore, #tpu.memory_space<semaphore_mem>>
      %dma_start3A = tpu.memref_slice %arg4[%mul3A_2] : memref<10240xf32, #tpu.memory_space<hbm>> -> memref<640xf32, #tpu.memory_space<hbm>>
      %dma_start3A_19 = tpu.memref_slice %arg4[%mul3A_2] : memref<10240xf32, #tpu.memory_space<hbm>> -> memref<640xf32, #tpu.memory_space<hbm>>
      tpu.enqueue_dma source(%dma_start3A_19 : memref<640xf32, #tpu.memory_space<hbm>>) target(%arg8 : memref<640xf32, #tpu.memory_space<vmem>>) target_semaphore(%run_scoped3A : memref<!tpu.dma_semaphore, #tpu.memory_space<semaphore_mem>>)
      %dma_wait3A = tpu.memref_slice %arg4[%mul3A_2] : memref<10240xf32, #tpu.memory_space<hbm>> -> memref<640xf32, #tpu.memory_space<hbm>>
      %dma_wait3A_20 = tpu.memref_slice %arg4[%mul3A_2] : memref<10240xf32, #tpu.memory_space<hbm>> -> memref<640xf32, #tpu.memory_space<hbm>>
      tpu.wait_dma2 semaphore(%run_scoped3A : memref<!tpu.dma_semaphore, #tpu.memory_space<semaphore_mem>>) src(%dma_wait3A_20 : memref<640xf32, #tpu.memory_space<hbm>>) dst(%arg8 : memref<640xf32, #tpu.memory_space<vmem>>)
      tpu.yield
    }) : () -> ()
    %mul3A_3 = arith.constant 640 : i32
    %mul3A_4 = arith.muli %arg1, %mul3A_3 : i32
    "tpu.region"() ({
      %run_scoped3A = tpu.sem_alloc : memref<!tpu.dma_semaphore, #tpu.memory_space<semaphore_mem>>
      %dma_start3A = tpu.memref_slice %arg9[%mul3A_4] : memref<10240xf32, #tpu.memory_space<vmem_shared>> -> memref<640xf32, #tpu.memory_space<vmem_shared>>
      %dma_start3A_19 = tpu.memref_slice %arg9[%mul3A_4] : memref<10240xf32, #tpu.memory_space<vmem_shared>> -> memref<640xf32, #tpu.memory_space<vmem_shared>>
      tpu.enqueue_dma source(%arg8 : memref<640xf32, #tpu.memory_space<vmem>>) target(%dma_start3A_19 : memref<640xf32, #tpu.memory_space<vmem_shared>>) target_semaphore(%run_scoped3A : memref<!tpu.dma_semaphore, #tpu.memory_space<semaphore_mem>>)
      %dma_wait3A = tpu.memref_slice %arg9[%mul3A_4] : memref<10240xf32, #tpu.memory_space<vmem_shared>> -> memref<640xf32, #tpu.memory_space<vmem_shared>>
      %dma_wait3A_20 = tpu.memref_slice %arg9[%mul3A_4] : memref<10240xf32, #tpu.memory_space<vmem_shared>> -> memref<640xf32, #tpu.memory_space<vmem_shared>>
      tpu.wait_dma2 semaphore(%run_scoped3A : memref<!tpu.dma_semaphore, #tpu.memory_space<semaphore_mem>>) src(%arg8 : memref<640xf32, #tpu.memory_space<vmem>>) dst(%dma_wait3A_20 : memref<640xf32, #tpu.memory_space<vmem_shared>>)
      tpu.yield
    }) : () -> ()
    "tpu.region"() ({
      %run_scoped3A = tpu.sem_alloc : memref<!tpu.dma_semaphore, #tpu.memory_space<semaphore_mem>>
      tpu.enqueue_dma source(%arg3 : memref<128xf32, #tpu.memory_space<hbm>>) target(%arg7 : memref<128xf32, #tpu.memory_space<vmem>>) target_semaphore(%run_scoped3A : memref<!tpu.dma_semaphore, #tpu.memory_space<semaphore_mem>>)
      tpu.wait_dma2 semaphore(%run_scoped3A : memref<!tpu.dma_semaphore, #tpu.memory_space<semaphore_mem>>) src(%arg3 : memref<128xf32, #tpu.memory_space<hbm>>) dst(%arg7 : memref<128xf32, #tpu.memory_space<vmem>>)
      tpu.yield
    }) : () -> ()
    %mul3A_5 = arith.constant 80 : i32
    %mul3A_6 = arith.muli %add3A, %mul3A_5 : i32
    "tpu.region"() ({
      %run_scoped3A = tpu.sem_alloc : memref<!tpu.dma_semaphore, #tpu.memory_space<semaphore_mem>>
      %dma_start3A = arith.constant 0 : i32
      %dma_start3A_19 = tpu.memref_slice %arg2[%mul3A_6, %dma_start3A] : memref<2560x128xi32, #tpu.memory_space<hbm>> -> memref<80x128xi32, #tpu.memory_space<hbm>>
      %dma_start3A_20 = arith.constant 0 : i32
      %dma_start3A_21 = tpu.memref_slice %arg2[%mul3A_6, %dma_start3A_20] : memref<2560x128xi32, #tpu.memory_space<hbm>> -> memref<80x128xi32, #tpu.memory_space<hbm>>
      tpu.enqueue_dma source(%dma_start3A_21 : memref<80x128xi32, #tpu.memory_space<hbm>>) target(%arg6 : memref<80x128xi32, #tpu.memory_space<vmem>>) target_semaphore(%run_scoped3A : memref<!tpu.dma_semaphore, #tpu.memory_space<semaphore_mem>>)
      %dma_wait3A = arith.constant 0 : i32
      %dma_wait3A_22 = tpu.memref_slice %arg2[%mul3A_6, %dma_wait3A] : memref<2560x128xi32, #tpu.memory_space<hbm>> -> memref<80x128xi32, #tpu.memory_space<hbm>>
      %dma_wait3A_23 = arith.constant 0 : i32
      %dma_wait3A_24 = tpu.memref_slice %arg2[%mul3A_6, %dma_wait3A_23] : memref<2560x128xi32, #tpu.memory_space<hbm>> -> memref<80x128xi32, #tpu.memory_space<hbm>>
      tpu.wait_dma2 semaphore(%run_scoped3A : memref<!tpu.dma_semaphore, #tpu.memory_space<semaphore_mem>>) src(%dma_wait3A_24 : memref<80x128xi32, #tpu.memory_space<hbm>>) dst(%arg6 : memref<80x128xi32, #tpu.memory_space<vmem>>)
      tpu.yield
    }) : () -> ()
    %barrier3A = arith.constant 0 : index
    tpu.barrier barrier_id(%barrier3A)
    %scan3A = arith.constant 0 : i32
    %scan3A_7 = arith.constant 80 : i32
    %scan3A_8 = arith.addi %scan3A, %scan3A_7 : i32
    %scan3A_9 = arith.constant 1 : i32
    scf.for %scan3A_19 = %scan3A to %scan3A_8 step %scan3A_9  : i32 {
      %mul3A_20 = arith.constant 1 : i32
      %mul3A_21 = arith.muli %scan3A_19, %mul3A_20 : i32
      %add3A_22 = arith.constant 0 : i32
      %add3A_23 = arith.addi %add3A_22, %mul3A_21 : i32
      "tpu.region"() ({
        %run_scoped3A = tpu.sem_alloc : memref<!tpu.dma_semaphore, #tpu.memory_space<semaphore_mem>>
        %dma_start3A = arith.constant 0 : i32
        %dma_start3A_24 = tpu.memref_slice %arg6[%add3A_23, %dma_start3A] : memref<80x128xi32, #tpu.memory_space<vmem>> -> memref<1x128xi32, #tpu.memory_space<vmem>>
        %dma_start3A_25 = tpu.memref_squeeze %dma_start3A_24 : memref<1x128xi32, #tpu.memory_space<vmem>> -> memref<128xi32, #tpu.memory_space<vmem>>
        %dma_start3A_26 = arith.constant 0 : i32
        %dma_start3A_27 = tpu.memref_slice %arg9[%dma_start3A_26] : memref<10240xf32, #tpu.memory_space<vmem_shared>> -> memref<10240xf32, #tpu.memory_space<vmem_shared>>
        tpu.enqueue_indirect_dma source(%arg7 : memref<128xf32, #tpu.memory_space<vmem>>) target(%dma_start3A_27 : memref<10240xf32, #tpu.memory_space<vmem_shared>>) offsets(%dma_start3A_25 : memref<128xi32, #tpu.memory_space<vmem>>) semaphore(%run_scoped3A : memref<!tpu.dma_semaphore, #tpu.memory_space<semaphore_mem>>) {add = true}
        %dma_wait3A = arith.constant 0 : i32
        %dma_wait3A_28 = tpu.memref_slice %arg6[%add3A_23, %dma_wait3A] : memref<80x128xi32, #tpu.memory_space<vmem>> -> memref<1x128xi32, #tpu.memory_space<vmem>>
        %dma_wait3A_29 = tpu.memref_squeeze %dma_wait3A_28 : memref<1x128xi32, #tpu.memory_space<vmem>> -> memref<128xi32, #tpu.memory_space<vmem>>
        %dma_wait3A_30 = arith.constant 0 : i32
        %dma_wait3A_31 = tpu.memref_slice %arg9[%dma_wait3A_30] : memref<10240xf32, #tpu.memory_space<vmem_shared>> -> memref<10240xf32, #tpu.memory_space<vmem_shared>>
        tpu.wait_indirect_dma semaphore(%run_scoped3A : memref<!tpu.dma_semaphore, #tpu.memory_space<semaphore_mem>>) src(%arg7 : memref<128xf32, #tpu.memory_space<vmem>>) dst(%dma_wait3A_31 : memref<10240xf32, #tpu.memory_space<vmem_shared>>)
        tpu.yield
      }) : () -> ()
    }
    %scan3A_10 = arith.constant 80 : i32
    %barrier3A_11 = arith.constant 0 : index
    tpu.barrier barrier_id(%barrier3A_11)
    %mul3A_12 = arith.constant 640 : i32
    %mul3A_13 = arith.muli %arg1, %mul3A_12 : i32
    "tpu.region"() ({
      %run_scoped3A = tpu.sem_alloc : memref<!tpu.dma_semaphore, #tpu.memory_space<semaphore_mem>>
      %dma_start3A = tpu.memref_slice %arg9[%mul3A_13] : memref<10240xf32, #tpu.memory_space<vmem_shared>> -> memref<640xf32, #tpu.memory_space<vmem_shared>>
      %dma_start3A_19 = tpu.memref_slice %arg9[%mul3A_13] : memref<10240xf32, #tpu.memory_space<vmem_shared>> -> memref<640xf32, #tpu.memory_space<vmem_shared>>
      tpu.enqueue_dma source(%dma_start3A_19 : memref<640xf32, #tpu.memory_space<vmem_shared>>) target(%arg8 : memref<640xf32, #tpu.memory_space<vmem>>) target_semaphore(%run_scoped3A : memref<!tpu.dma_semaphore, #tpu.memory_space<semaphore_mem>>)
      %dma_wait3A = tpu.memref_slice %arg9[%mul3A_13] : memref<10240xf32, #tpu.memory_space<vmem_shared>> -> memref<640xf32, #tpu.memory_space<vmem_shared>>
      %dma_wait3A_20 = tpu.memref_slice %arg9[%mul3A_13] : memref<10240xf32, #tpu.memory_space<vmem_shared>> -> memref<640xf32, #tpu.memory_space<vmem_shared>>
      tpu.wait_dma2 semaphore(%run_scoped3A : memref<!tpu.dma_semaphore, #tpu.memory_space<semaphore_mem>>) src(%dma_wait3A_20 : memref<640xf32, #tpu.memory_space<vmem_shared>>) dst(%arg8 : memref<640xf32, #tpu.memory_space<vmem>>)
      tpu.yield
    }) : () -> ()
    %mul3A_14 = arith.constant 10240 : i32
    %mul3A_15 = arith.muli %arg0, %mul3A_14 : i32
    %mul3A_16 = arith.constant 640 : i32
    %mul3A_17 = arith.muli %arg1, %mul3A_16 : i32
    %add3A_18 = arith.addi %mul3A_15, %mul3A_17 : i32
    "tpu.region"() ({
      %run_scoped3A = tpu.sem_alloc : memref<!tpu.dma_semaphore, #tpu.memory_space<semaphore_mem>>
      %dma_start3A = tpu.memref_slice %arg5[%add3A_18] : memref<20480xf32, #tpu.memory_space<hbm>> -> memref<640xf32, #tpu.memory_space<hbm>>
      %dma_start3A_19 = tpu.memref_slice %arg5[%add3A_18] : memref<20480xf32, #tpu.memory_space<hbm>> -> memref<640xf32, #tpu.memory_space<hbm>>
      tpu.enqueue_dma source(%arg8 : memref<640xf32, #tpu.memory_space<vmem>>) target(%dma_start3A_19 : memref<640xf32, #tpu.memory_space<hbm>>) target_semaphore(%run_scoped3A : memref<!tpu.dma_semaphore, #tpu.memory_space<semaphore_mem>>)
      %dma_wait3A = tpu.memref_slice %arg5[%add3A_18] : memref<20480xf32, #tpu.memory_space<hbm>> -> memref<640xf32, #tpu.memory_space<hbm>>
      %dma_wait3A_20 = tpu.memref_slice %arg5[%add3A_18] : memref<20480xf32, #tpu.memory_space<hbm>> -> memref<640xf32, #tpu.memory_space<hbm>>
      tpu.wait_dma2 semaphore(%run_scoped3A : memref<!tpu.dma_semaphore, #tpu.memory_space<semaphore_mem>>) src(%arg8 : memref<640xf32, #tpu.memory_space<vmem>>) dst(%dma_wait3A_20 : memref<640xf32, #tpu.memory_space<hbm>>)
      tpu.yield
    }) : () -> ()
    return
  }
}

#map = affine_map<(d0, d1) -> (0, 0)>
module attributes {stable_mosaic.version = 14 : i64} {
  func.func @_k3_edge(%arg0: i32, %arg1: i32, %arg2: memref<5120x64xi32, #tpu.memory_space<hbm>>, %arg3: memref<5120x64xi32, #tpu.memory_space<hbm>>, %arg4: memref<10240x128xf32, #tpu.memory_space<hbm>>, %arg5: memref<64x128xf32, #tpu.memory_space<hbm>>, %arg6: memref<20480x128xf32, #tpu.memory_space<hbm>>, %arg7: memref<40x64xi32, #tpu.memory_space<vmem>>, %arg8: memref<40x64xi32, #tpu.memory_space<vmem>>, %arg9: memref<4x64x128xf32, #tpu.memory_space<vmem>>, %arg10: memref<10240x128xf32, #tpu.memory_space<vmem_shared>>, %arg11: memref<4x!tpu.dma_semaphore, #tpu.memory_space<semaphore_mem>>, %arg12: memref<4x!tpu.dma_semaphore, #tpu.memory_space<semaphore_mem>>) attributes {dimension_semantics = [#tpu.dimension_semantics<core_parallel>, #tpu.dimension_semantics<subcore_parallel>], iteration_bounds = array<i64: 2, 16>, scalar_prefetch = 0 : i64, scratch_operands = 6 : i64, tpu.core_type = #tpu.core_type<sc_vector_subcore>, window_params = [{transform_indices = #map}, {transform_indices = #map}, {transform_indices = #map}, {transform_indices = #map}, {transform_indices = #map}]} {
    %mul3A = arith.constant 2 : i32
    %mul3A_0 = arith.muli %arg1, %mul3A : i32
    %add3A = arith.addi %mul3A_0, %arg0 : i32
    %run_scoped3A = arith.constant 0 : i32
    "tpu.region"() ({
      %run_scoped3A_16 = tpu.sem_alloc : memref<!tpu.dma_semaphore, #tpu.memory_space<semaphore_mem>>
      %dma_start3A = arith.constant 0 : i32
      %dma_start3A_17 = arith.constant 0 : i32
      %dma_start3A_18 = tpu.memref_slice %arg9[%run_scoped3A, %dma_start3A, %dma_start3A_17] : memref<4x64x128xf32, #tpu.memory_space<vmem>> -> memref<1x64x128xf32, #tpu.memory_space<vmem>>
      %dma_start3A_19 = tpu.memref_squeeze %dma_start3A_18 : memref<1x64x128xf32, #tpu.memory_space<vmem>> -> memref<64x128xf32, #tpu.memory_space<vmem>>
      %dma_start3A_20 = arith.constant 0 : i32
      %dma_start3A_21 = arith.constant 0 : i32
      %dma_start3A_22 = tpu.memref_slice %arg9[%run_scoped3A, %dma_start3A_20, %dma_start3A_21] : memref<4x64x128xf32, #tpu.memory_space<vmem>> -> memref<1x64x128xf32, #tpu.memory_space<vmem>>
      %dma_start3A_23 = tpu.memref_squeeze %dma_start3A_22 : memref<1x64x128xf32, #tpu.memory_space<vmem>> -> memref<64x128xf32, #tpu.memory_space<vmem>>
      tpu.enqueue_dma source(%arg5 : memref<64x128xf32, #tpu.memory_space<hbm>>) target(%dma_start3A_23 : memref<64x128xf32, #tpu.memory_space<vmem>>) target_semaphore(%run_scoped3A_16 : memref<!tpu.dma_semaphore, #tpu.memory_space<semaphore_mem>>)
      %dma_wait3A = arith.constant 0 : i32
      %dma_wait3A_24 = arith.constant 0 : i32
      %dma_wait3A_25 = tpu.memref_slice %arg9[%run_scoped3A, %dma_wait3A, %dma_wait3A_24] : memref<4x64x128xf32, #tpu.memory_space<vmem>> -> memref<1x64x128xf32, #tpu.memory_space<vmem>>
      %dma_wait3A_26 = tpu.memref_squeeze %dma_wait3A_25 : memref<1x64x128xf32, #tpu.memory_space<vmem>> -> memref<64x128xf32, #tpu.memory_space<vmem>>
      %dma_wait3A_27 = arith.constant 0 : i32
      %dma_wait3A_28 = arith.constant 0 : i32
      %dma_wait3A_29 = tpu.memref_slice %arg9[%run_scoped3A, %dma_wait3A_27, %dma_wait3A_28] : memref<4x64x128xf32, #tpu.memory_space<vmem>> -> memref<1x64x128xf32, #tpu.memory_space<vmem>>
      %dma_wait3A_30 = tpu.memref_squeeze %dma_wait3A_29 : memref<1x64x128xf32, #tpu.memory_space<vmem>> -> memref<64x128xf32, #tpu.memory_space<vmem>>
      tpu.wait_dma2 semaphore(%run_scoped3A_16 : memref<!tpu.dma_semaphore, #tpu.memory_space<semaphore_mem>>) src(%arg5 : memref<64x128xf32, #tpu.memory_space<hbm>>) dst(%dma_wait3A_30 : memref<64x128xf32, #tpu.memory_space<vmem>>)
      tpu.yield
    }) : () -> ()
    %scan3A = arith.constant 0 : i32
    %scan3A_1 = arith.constant 10 : i32
    %scan3A_2 = arith.addi %scan3A, %scan3A_1 : i32
    %scan3A_3 = arith.constant 1 : i32
    scf.for %scan3A_16 = %scan3A to %scan3A_2 step %scan3A_3  : i32 {
      %mul3A_17 = arith.constant 1 : i32
      %mul3A_18 = arith.muli %scan3A_16, %mul3A_17 : i32
      %add3A_19 = arith.constant 0 : i32
      %add3A_20 = arith.addi %add3A_19, %mul3A_18 : i32
      %mul3A_21 = arith.constant 640 : i32
      %mul3A_22 = arith.muli %arg1, %mul3A_21 : i32
      %mul3A_23 = arith.constant 64 : i32
      %mul3A_24 = arith.muli %add3A_20, %mul3A_23 : i32
      %add3A_25 = arith.addi %mul3A_22, %mul3A_24 : i32
      %run_scoped3A_26 = arith.constant 0 : i32
      "tpu.region"() ({
        %run_scoped3A_27 = tpu.sem_alloc : memref<!tpu.dma_semaphore, #tpu.memory_space<semaphore_mem>>
        %dma_start3A = arith.constant 0 : i32
        %dma_start3A_28 = arith.constant 0 : i32
        %dma_start3A_29 = tpu.memref_slice %arg9[%run_scoped3A_26, %dma_start3A, %dma_start3A_28] : memref<4x64x128xf32, #tpu.memory_space<vmem>> -> memref<1x64x128xf32, #tpu.memory_space<vmem>>
        %dma_start3A_30 = tpu.memref_squeeze %dma_start3A_29 : memref<1x64x128xf32, #tpu.memory_space<vmem>> -> memref<64x128xf32, #tpu.memory_space<vmem>>
        %dma_start3A_31 = arith.constant 0 : i32
        %dma_start3A_32 = tpu.memref_slice %arg10[%add3A_25, %dma_start3A_31] : memref<10240x128xf32, #tpu.memory_space<vmem_shared>> -> memref<64x128xf32, #tpu.memory_space<vmem_shared>>
        %dma_start3A_33 = arith.constant 0 : i32
        %dma_start3A_34 = tpu.memref_slice %arg10[%add3A_25, %dma_start3A_33] : memref<10240x128xf32, #tpu.memory_space<vmem_shared>> -> memref<64x128xf32, #tpu.memory_space<vmem_shared>>
        %dma_start3A_35 = arith.constant 0 : i32
        %dma_start3A_36 = arith.constant 0 : i32
        %dma_start3A_37 = tpu.memref_slice %arg9[%run_scoped3A_26, %dma_start3A_35, %dma_start3A_36] : memref<4x64x128xf32, #tpu.memory_space<vmem>> -> memref<1x64x128xf32, #tpu.memory_space<vmem>>
        %dma_start3A_38 = tpu.memref_squeeze %dma_start3A_37 : memref<1x64x128xf32, #tpu.memory_space<vmem>> -> memref<64x128xf32, #tpu.memory_space<vmem>>
        tpu.enqueue_dma source(%dma_start3A_38 : memref<64x128xf32, #tpu.memory_space<vmem>>) target(%dma_start3A_34 : memref<64x128xf32, #tpu.memory_space<vmem_shared>>) target_semaphore(%run_scoped3A_27 : memref<!tpu.dma_semaphore, #tpu.memory_space<semaphore_mem>>)
        %dma_wait3A = arith.constant 0 : i32
        %dma_wait3A_39 = arith.constant 0 : i32
        %dma_wait3A_40 = tpu.memref_slice %arg9[%run_scoped3A_26, %dma_wait3A, %dma_wait3A_39] : memref<4x64x128xf32, #tpu.memory_space<vmem>> -> memref<1x64x128xf32, #tpu.memory_space<vmem>>
        %dma_wait3A_41 = tpu.memref_squeeze %dma_wait3A_40 : memref<1x64x128xf32, #tpu.memory_space<vmem>> -> memref<64x128xf32, #tpu.memory_space<vmem>>
        %dma_wait3A_42 = arith.constant 0 : i32
        %dma_wait3A_43 = tpu.memref_slice %arg10[%add3A_25, %dma_wait3A_42] : memref<10240x128xf32, #tpu.memory_space<vmem_shared>> -> memref<64x128xf32, #tpu.memory_space<vmem_shared>>
        %dma_wait3A_44 = arith.constant 0 : i32
        %dma_wait3A_45 = tpu.memref_slice %arg10[%add3A_25, %dma_wait3A_44] : memref<10240x128xf32, #tpu.memory_space<vmem_shared>> -> memref<64x128xf32, #tpu.memory_space<vmem_shared>>
        %dma_wait3A_46 = arith.constant 0 : i32
        %dma_wait3A_47 = arith.constant 0 : i32
        %dma_wait3A_48 = tpu.memref_slice %arg9[%run_scoped3A_26, %dma_wait3A_46, %dma_wait3A_47] : memref<4x64x128xf32, #tpu.memory_space<vmem>> -> memref<1x64x128xf32, #tpu.memory_space<vmem>>
        %dma_wait3A_49 = tpu.memref_squeeze %dma_wait3A_48 : memref<1x64x128xf32, #tpu.memory_space<vmem>> -> memref<64x128xf32, #tpu.memory_space<vmem>>
        tpu.wait_dma2 semaphore(%run_scoped3A_27 : memref<!tpu.dma_semaphore, #tpu.memory_space<semaphore_mem>>) src(%dma_wait3A_49 : memref<64x128xf32, #tpu.memory_space<vmem>>) dst(%dma_wait3A_45 : memref<64x128xf32, #tpu.memory_space<vmem_shared>>)
        tpu.yield
      }) : () -> ()
    }
    %scan3A_4 = arith.constant 10 : i32
    %barrier3A = arith.constant 0 : index
    tpu.barrier barrier_id(%barrier3A)
    %scan3A_5 = arith.constant 0 : i32
    %scan3A_6 = arith.constant 4 : i32
    %scan3A_7 = arith.addi %scan3A_5, %scan3A_6 : i32
    %scan3A_8 = arith.constant 1 : i32
    scf.for %scan3A_16 = %scan3A_5 to %scan3A_7 step %scan3A_8  : i32 {
      %mul3A_17 = arith.constant 1 : i32
      %mul3A_18 = arith.muli %scan3A_16, %mul3A_17 : i32
      %add3A_19 = arith.constant 0 : i32
      %add3A_20 = arith.addi %add3A_19, %mul3A_18 : i32
      %mul3A_21 = arith.constant 160 : i32
      %mul3A_22 = arith.muli %add3A, %mul3A_21 : i32
      %mul3A_23 = arith.constant 40 : i32
      %mul3A_24 = arith.muli %add3A_20, %mul3A_23 : i32
      %add3A_25 = arith.addi %mul3A_22, %mul3A_24 : i32
      "tpu.region"() ({
        %run_scoped3A_41 = tpu.sem_alloc : memref<!tpu.dma_semaphore, #tpu.memory_space<semaphore_mem>>
        %dma_start3A = arith.constant 0 : i32
        %dma_start3A_42 = tpu.memref_slice %arg2[%add3A_25, %dma_start3A] : memref<5120x64xi32, #tpu.memory_space<hbm>> -> memref<40x64xi32, #tpu.memory_space<hbm>>
        %dma_start3A_43 = arith.constant 0 : i32
        %dma_start3A_44 = tpu.memref_slice %arg2[%add3A_25, %dma_start3A_43] : memref<5120x64xi32, #tpu.memory_space<hbm>> -> memref<40x64xi32, #tpu.memory_space<hbm>>
        tpu.enqueue_dma source(%dma_start3A_44 : memref<40x64xi32, #tpu.memory_space<hbm>>) target(%arg7 : memref<40x64xi32, #tpu.memory_space<vmem>>) target_semaphore(%run_scoped3A_41 : memref<!tpu.dma_semaphore, #tpu.memory_space<semaphore_mem>>)
        %dma_wait3A = arith.constant 0 : i32
        %dma_wait3A_45 = tpu.memref_slice %arg2[%add3A_25, %dma_wait3A] : memref<5120x64xi32, #tpu.memory_space<hbm>> -> memref<40x64xi32, #tpu.memory_space<hbm>>
        %dma_wait3A_46 = arith.constant 0 : i32
        %dma_wait3A_47 = tpu.memref_slice %arg2[%add3A_25, %dma_wait3A_46] : memref<5120x64xi32, #tpu.memory_space<hbm>> -> memref<40x64xi32, #tpu.memory_space<hbm>>
        tpu.wait_dma2 semaphore(%run_scoped3A_41 : memref<!tpu.dma_semaphore, #tpu.memory_space<semaphore_mem>>) src(%dma_wait3A_47 : memref<40x64xi32, #tpu.memory_space<hbm>>) dst(%arg7 : memref<40x64xi32, #tpu.memory_space<vmem>>)
        tpu.yield
      }) : () -> ()
      %mul3A_26 = arith.constant 160 : i32
      %mul3A_27 = arith.muli %add3A, %mul3A_26 : i32
      %mul3A_28 = arith.constant 40 : i32
      %mul3A_29 = arith.muli %add3A_20, %mul3A_28 : i32
      %add3A_30 = arith.addi %mul3A_27, %mul3A_29 : i32
      "tpu.region"() ({
        %run_scoped3A_41 = tpu.sem_alloc : memref<!tpu.dma_semaphore, #tpu.memory_space<semaphore_mem>>
        %dma_start3A = arith.constant 0 : i32
        %dma_start3A_42 = tpu.memref_slice %arg3[%add3A_30, %dma_start3A] : memref<5120x64xi32, #tpu.memory_space<hbm>> -> memref<40x64xi32, #tpu.memory_space<hbm>>
        %dma_start3A_43 = arith.constant 0 : i32
        %dma_start3A_44 = tpu.memref_slice %arg3[%add3A_30, %dma_start3A_43] : memref<5120x64xi32, #tpu.memory_space<hbm>> -> memref<40x64xi32, #tpu.memory_space<hbm>>
        tpu.enqueue_dma source(%dma_start3A_44 : memref<40x64xi32, #tpu.memory_space<hbm>>) target(%arg8 : memref<40x64xi32, #tpu.memory_space<vmem>>) target_semaphore(%run_scoped3A_41 : memref<!tpu.dma_semaphore, #tpu.memory_space<semaphore_mem>>)
        %dma_wait3A = arith.constant 0 : i32
        %dma_wait3A_45 = tpu.memref_slice %arg3[%add3A_30, %dma_wait3A] : memref<5120x64xi32, #tpu.memory_space<hbm>> -> memref<40x64xi32, #tpu.memory_space<hbm>>
        %dma_wait3A_46 = arith.constant 0 : i32
        %dma_wait3A_47 = tpu.memref_slice %arg3[%add3A_30, %dma_wait3A_46] : memref<5120x64xi32, #tpu.memory_space<hbm>> -> memref<40x64xi32, #tpu.memory_space<hbm>>
        tpu.wait_dma2 semaphore(%run_scoped3A_41 : memref<!tpu.dma_semaphore, #tpu.memory_space<semaphore_mem>>) src(%dma_wait3A_47 : memref<40x64xi32, #tpu.memory_space<hbm>>) dst(%arg8 : memref<40x64xi32, #tpu.memory_space<vmem>>)
        tpu.yield
      }) : () -> ()
      %scan3A_31 = arith.constant 0 : i32
      %scan3A_32 = arith.constant 10 : i32
      %scan3A_33 = arith.addi %scan3A_31, %scan3A_32 : i32
      %scan3A_34 = arith.constant 1 : i32
      scf.for %scan3A_41 = %scan3A_31 to %scan3A_33 step %scan3A_34  : i32 {
        %mul3A_42 = arith.constant 1 : i32
        %mul3A_43 = arith.muli %scan3A_41, %mul3A_42 : i32
        %add3A_44 = arith.constant 0 : i32
        %add3A_45 = arith.addi %add3A_44, %mul3A_43 : i32
        %scan3A_46 = arith.constant 0 : i32
        %scan3A_47 = arith.constant 4 : i32
        %scan3A_48 = arith.addi %scan3A_46, %scan3A_47 : i32
        %scan3A_49 = arith.constant 1 : i32
        scf.for %scan3A_56 = %scan3A_46 to %scan3A_48 step %scan3A_49  : i32 {
          %mul3A_57 = arith.constant 1 : i32
          %mul3A_58 = arith.muli %scan3A_56, %mul3A_57 : i32
          %add3A_59 = arith.constant 0 : i32
          %add3A_60 = arith.addi %add3A_59, %mul3A_58 : i32
          %mul3A_61 = arith.constant 4 : i32
          %mul3A_62 = arith.muli %add3A_45, %mul3A_61 : i32
          %add3A_63 = arith.addi %mul3A_62, %add3A_60 : i32
          %gt3A = arith.constant 0 : i32
          %gt3A_64 = arith.cmpi sgt, %add3A_45, %gt3A : i32
          %convert_element_type3A = arith.extui %gt3A_64 : i1 to i32
          %cond3A = arith.constant 0 : i32
          %cond3A_65 = arith.cmpi ne, %convert_element_type3A, %cond3A : i32
          scf.if %cond3A_65 {
            %sub3A = arith.constant 4 : i32
            %sub3A_77 = arith.subi %add3A_63, %sub3A : i32
            %dma_wait3A = arith.constant 0 : i32
            %dma_wait3A_78 = arith.constant 0 : i32
            %dma_wait3A_79 = tpu.memref_slice %arg9[%add3A_60, %dma_wait3A, %dma_wait3A_78] : memref<4x64x128xf32, #tpu.memory_space<vmem>> -> memref<1x64x128xf32, #tpu.memory_space<vmem>>
            %dma_wait3A_80 = tpu.memref_squeeze %dma_wait3A_79 : memref<1x64x128xf32, #tpu.memory_space<vmem>> -> memref<64x128xf32, #tpu.memory_space<vmem>>
            %dma_wait3A_81 = arith.constant 0 : i32
            %dma_wait3A_82 = tpu.memref_slice %arg8[%sub3A_77, %dma_wait3A_81] : memref<40x64xi32, #tpu.memory_space<vmem>> -> memref<1x64xi32, #tpu.memory_space<vmem>>
            %dma_wait3A_83 = tpu.memref_squeeze %dma_wait3A_82 : memref<1x64xi32, #tpu.memory_space<vmem>> -> memref<64xi32, #tpu.memory_space<vmem>>
            %dma_wait3A_84 = arith.constant 0 : i32
            %dma_wait3A_85 = arith.constant 0 : i32
            %dma_wait3A_86 = tpu.memref_slice %arg10[%dma_wait3A_84, %dma_wait3A_85] : memref<10240x128xf32, #tpu.memory_space<vmem_shared>> -> memref<10240x128xf32, #tpu.memory_space<vmem_shared>>
            %dma_wait3A_87 = tpu.memref_slice %arg12[%add3A_60] : memref<4x!tpu.dma_semaphore, #tpu.memory_space<semaphore_mem>> -> memref<1x!tpu.dma_semaphore, #tpu.memory_space<semaphore_mem>>
            %dma_wait3A_88 = tpu.memref_squeeze %dma_wait3A_87 : memref<1x!tpu.dma_semaphore, #tpu.memory_space<semaphore_mem>> -> memref<!tpu.dma_semaphore, #tpu.memory_space<semaphore_mem>>
            tpu.wait_indirect_dma semaphore(%dma_wait3A_88 : memref<!tpu.dma_semaphore, #tpu.memory_space<semaphore_mem>>) src(%dma_wait3A_80 : memref<64x128xf32, #tpu.memory_space<vmem>>) dst(%dma_wait3A_86 : memref<10240x128xf32, #tpu.memory_space<vmem_shared>>)
          } else {
          }
          %dma_start3A = arith.constant 0 : i32
          %dma_start3A_66 = arith.constant 0 : i32
          %dma_start3A_67 = tpu.memref_slice %arg9[%add3A_60, %dma_start3A, %dma_start3A_66] : memref<4x64x128xf32, #tpu.memory_space<vmem>> -> memref<1x64x128xf32, #tpu.memory_space<vmem>>
          %dma_start3A_68 = tpu.memref_squeeze %dma_start3A_67 : memref<1x64x128xf32, #tpu.memory_space<vmem>> -> memref<64x128xf32, #tpu.memory_space<vmem>>
          %dma_start3A_69 = arith.constant 0 : i32
          %dma_start3A_70 = tpu.memref_slice %arg7[%add3A_63, %dma_start3A_69] : memref<40x64xi32, #tpu.memory_space<vmem>> -> memref<1x64xi32, #tpu.memory_space<vmem>>
          %dma_start3A_71 = tpu.memref_squeeze %dma_start3A_70 : memref<1x64xi32, #tpu.memory_space<vmem>> -> memref<64xi32, #tpu.memory_space<vmem>>
          %dma_start3A_72 = arith.constant 0 : i32
          %dma_start3A_73 = arith.constant 0 : i32
          %dma_start3A_74 = tpu.memref_slice %arg4[%dma_start3A_72, %dma_start3A_73] : memref<10240x128xf32, #tpu.memory_space<hbm>> -> memref<10240x128xf32, #tpu.memory_space<hbm>>
          %dma_start3A_75 = tpu.memref_slice %arg11[%add3A_60] : memref<4x!tpu.dma_semaphore, #tpu.memory_space<semaphore_mem>> -> memref<1x!tpu.dma_semaphore, #tpu.memory_space<semaphore_mem>>
          %dma_start3A_76 = tpu.memref_squeeze %dma_start3A_75 : memref<1x!tpu.dma_semaphore, #tpu.memory_space<semaphore_mem>> -> memref<!tpu.dma_semaphore, #tpu.memory_space<semaphore_mem>>
          tpu.enqueue_indirect_dma source(%dma_start3A_74 : memref<10240x128xf32, #tpu.memory_space<hbm>>) target(%dma_start3A_68 : memref<64x128xf32, #tpu.memory_space<vmem>>) offsets(%dma_start3A_71 : memref<64xi32, #tpu.memory_space<vmem>>) semaphore(%dma_start3A_76 : memref<!tpu.dma_semaphore, #tpu.memory_space<semaphore_mem>>)
        }
        %scan3A_50 = arith.constant 4 : i32
        %scan3A_51 = arith.constant 0 : i32
        %scan3A_52 = arith.constant 4 : i32
        %scan3A_53 = arith.addi %scan3A_51, %scan3A_52 : i32
        %scan3A_54 = arith.constant 1 : i32
        scf.for %scan3A_56 = %scan3A_51 to %scan3A_53 step %scan3A_54  : i32 {
          %mul3A_57 = arith.constant 1 : i32
          %mul3A_58 = arith.muli %scan3A_56, %mul3A_57 : i32
          %add3A_59 = arith.constant 0 : i32
          %add3A_60 = arith.addi %add3A_59, %mul3A_58 : i32
          %mul3A_61 = arith.constant 4 : i32
          %mul3A_62 = arith.muli %add3A_45, %mul3A_61 : i32
          %add3A_63 = arith.addi %mul3A_62, %add3A_60 : i32
          %dma_wait3A = arith.constant 0 : i32
          %dma_wait3A_64 = arith.constant 0 : i32
          %dma_wait3A_65 = tpu.memref_slice %arg9[%add3A_60, %dma_wait3A, %dma_wait3A_64] : memref<4x64x128xf32, #tpu.memory_space<vmem>> -> memref<1x64x128xf32, #tpu.memory_space<vmem>>
          %dma_wait3A_66 = tpu.memref_squeeze %dma_wait3A_65 : memref<1x64x128xf32, #tpu.memory_space<vmem>> -> memref<64x128xf32, #tpu.memory_space<vmem>>
          %dma_wait3A_67 = arith.constant 0 : i32
          %dma_wait3A_68 = tpu.memref_slice %arg7[%add3A_63, %dma_wait3A_67] : memref<40x64xi32, #tpu.memory_space<vmem>> -> memref<1x64xi32, #tpu.memory_space<vmem>>
          %dma_wait3A_69 = tpu.memref_squeeze %dma_wait3A_68 : memref<1x64xi32, #tpu.memory_space<vmem>> -> memref<64xi32, #tpu.memory_space<vmem>>
          %dma_wait3A_70 = arith.constant 0 : i32
          %dma_wait3A_71 = arith.constant 0 : i32
          %dma_wait3A_72 = tpu.memref_slice %arg4[%dma_wait3A_70, %dma_wait3A_71] : memref<10240x128xf32, #tpu.memory_space<hbm>> -> memref<10240x128xf32, #tpu.memory_space<hbm>>
          %dma_wait3A_73 = tpu.memref_slice %arg11[%add3A_60] : memref<4x!tpu.dma_semaphore, #tpu.memory_space<semaphore_mem>> -> memref<1x!tpu.dma_semaphore, #tpu.memory_space<semaphore_mem>>
          %dma_wait3A_74 = tpu.memref_squeeze %dma_wait3A_73 : memref<1x!tpu.dma_semaphore, #tpu.memory_space<semaphore_mem>> -> memref<!tpu.dma_semaphore, #tpu.memory_space<semaphore_mem>>
          tpu.wait_indirect_dma semaphore(%dma_wait3A_74 : memref<!tpu.dma_semaphore, #tpu.memory_space<semaphore_mem>>) src(%dma_wait3A_72 : memref<10240x128xf32, #tpu.memory_space<hbm>>) dst(%dma_wait3A_66 : memref<64x128xf32, #tpu.memory_space<vmem>>)
          %dma_start3A = arith.constant 0 : i32
          %dma_start3A_75 = arith.constant 0 : i32
          %dma_start3A_76 = tpu.memref_slice %arg9[%add3A_60, %dma_start3A, %dma_start3A_75] : memref<4x64x128xf32, #tpu.memory_space<vmem>> -> memref<1x64x128xf32, #tpu.memory_space<vmem>>
          %dma_start3A_77 = tpu.memref_squeeze %dma_start3A_76 : memref<1x64x128xf32, #tpu.memory_space<vmem>> -> memref<64x128xf32, #tpu.memory_space<vmem>>
          %dma_start3A_78 = arith.constant 0 : i32
          %dma_start3A_79 = tpu.memref_slice %arg8[%add3A_63, %dma_start3A_78] : memref<40x64xi32, #tpu.memory_space<vmem>> -> memref<1x64xi32, #tpu.memory_space<vmem>>
          %dma_start3A_80 = tpu.memref_squeeze %dma_start3A_79 : memref<1x64xi32, #tpu.memory_space<vmem>> -> memref<64xi32, #tpu.memory_space<vmem>>
          %dma_start3A_81 = arith.constant 0 : i32
          %dma_start3A_82 = arith.constant 0 : i32
          %dma_start3A_83 = tpu.memref_slice %arg10[%dma_start3A_81, %dma_start3A_82] : memref<10240x128xf32, #tpu.memory_space<vmem_shared>> -> memref<10240x128xf32, #tpu.memory_space<vmem_shared>>
          %dma_start3A_84 = tpu.memref_slice %arg12[%add3A_60] : memref<4x!tpu.dma_semaphore, #tpu.memory_space<semaphore_mem>> -> memref<1x!tpu.dma_semaphore, #tpu.memory_space<semaphore_mem>>
          %dma_start3A_85 = tpu.memref_squeeze %dma_start3A_84 : memref<1x!tpu.dma_semaphore, #tpu.memory_space<semaphore_mem>> -> memref<!tpu.dma_semaphore, #tpu.memory_space<semaphore_mem>>
          tpu.enqueue_indirect_dma source(%dma_start3A_77 : memref<64x128xf32, #tpu.memory_space<vmem>>) target(%dma_start3A_83 : memref<10240x128xf32, #tpu.memory_space<vmem_shared>>) offsets(%dma_start3A_80 : memref<64xi32, #tpu.memory_space<vmem>>) semaphore(%dma_start3A_85 : memref<!tpu.dma_semaphore, #tpu.memory_space<semaphore_mem>>) {add = true}
        }
        %scan3A_55 = arith.constant 4 : i32
      }
      %scan3A_35 = arith.constant 10 : i32
      %scan3A_36 = arith.constant 0 : i32
      %scan3A_37 = arith.constant 4 : i32
      %scan3A_38 = arith.addi %scan3A_36, %scan3A_37 : i32
      %scan3A_39 = arith.constant 1 : i32
      scf.for %scan3A_41 = %scan3A_36 to %scan3A_38 step %scan3A_39  : i32 {
        %mul3A_42 = arith.constant 1 : i32
        %mul3A_43 = arith.muli %scan3A_41, %mul3A_42 : i32
        %add3A_44 = arith.constant 0 : i32
        %add3A_45 = arith.addi %add3A_44, %mul3A_43 : i32
        %add3A_46 = arith.constant 36 : i32
        %add3A_47 = arith.addi %add3A_46, %add3A_45 : i32
        %dma_wait3A = arith.constant 0 : i32
        %dma_wait3A_48 = arith.constant 0 : i32
        %dma_wait3A_49 = tpu.memref_slice %arg9[%add3A_45, %dma_wait3A, %dma_wait3A_48] : memref<4x64x128xf32, #tpu.memory_space<vmem>> -> memref<1x64x128xf32, #tpu.memory_space<vmem>>
        %dma_wait3A_50 = tpu.memref_squeeze %dma_wait3A_49 : memref<1x64x128xf32, #tpu.memory_space<vmem>> -> memref<64x128xf32, #tpu.memory_space<vmem>>
        %dma_wait3A_51 = arith.constant 0 : i32
        %dma_wait3A_52 = tpu.memref_slice %arg8[%add3A_47, %dma_wait3A_51] : memref<40x64xi32, #tpu.memory_space<vmem>> -> memref<1x64xi32, #tpu.memory_space<vmem>>
        %dma_wait3A_53 = tpu.memref_squeeze %dma_wait3A_52 : memref<1x64xi32, #tpu.memory_space<vmem>> -> memref<64xi32, #tpu.memory_space<vmem>>
        %dma_wait3A_54 = arith.constant 0 : i32
        %dma_wait3A_55 = arith.constant 0 : i32
        %dma_wait3A_56 = tpu.memref_slice %arg10[%dma_wait3A_54, %dma_wait3A_55] : memref<10240x128xf32, #tpu.memory_space<vmem_shared>> -> memref<10240x128xf32, #tpu.memory_space<vmem_shared>>
        %dma_wait3A_57 = tpu.memref_slice %arg12[%add3A_45] : memref<4x!tpu.dma_semaphore, #tpu.memory_space<semaphore_mem>> -> memref<1x!tpu.dma_semaphore, #tpu.memory_space<semaphore_mem>>
        %dma_wait3A_58 = tpu.memref_squeeze %dma_wait3A_57 : memref<1x!tpu.dma_semaphore, #tpu.memory_space<semaphore_mem>> -> memref<!tpu.dma_semaphore, #tpu.memory_space<semaphore_mem>>
        tpu.wait_indirect_dma semaphore(%dma_wait3A_58 : memref<!tpu.dma_semaphore, #tpu.memory_space<semaphore_mem>>) src(%dma_wait3A_50 : memref<64x128xf32, #tpu.memory_space<vmem>>) dst(%dma_wait3A_56 : memref<10240x128xf32, #tpu.memory_space<vmem_shared>>)
      }
      %scan3A_40 = arith.constant 4 : i32
    }
    %scan3A_9 = arith.constant 4 : i32
    %barrier3A_10 = arith.constant 0 : index
    tpu.barrier barrier_id(%barrier3A_10)
    %scan3A_11 = arith.constant 0 : i32
    %scan3A_12 = arith.constant 10 : i32
    %scan3A_13 = arith.addi %scan3A_11, %scan3A_12 : i32
    %scan3A_14 = arith.constant 1 : i32
    scf.for %scan3A_16 = %scan3A_11 to %scan3A_13 step %scan3A_14  : i32 {
      %mul3A_17 = arith.constant 1 : i32
      %mul3A_18 = arith.muli %scan3A_16, %mul3A_17 : i32
      %add3A_19 = arith.constant 0 : i32
      %add3A_20 = arith.addi %add3A_19, %mul3A_18 : i32
      %mul3A_21 = arith.constant 640 : i32
      %mul3A_22 = arith.muli %arg1, %mul3A_21 : i32
      %mul3A_23 = arith.constant 64 : i32
      %mul3A_24 = arith.muli %add3A_20, %mul3A_23 : i32
      %add3A_25 = arith.addi %mul3A_22, %mul3A_24 : i32
      %run_scoped3A_26 = arith.constant 0 : i32
      "tpu.region"() ({
        %run_scoped3A_36 = tpu.sem_alloc : memref<!tpu.dma_semaphore, #tpu.memory_space<semaphore_mem>>
        %dma_start3A = arith.constant 0 : i32
        %dma_start3A_37 = arith.constant 0 : i32
        %dma_start3A_38 = tpu.memref_slice %arg9[%run_scoped3A_26, %dma_start3A, %dma_start3A_37] : memref<4x64x128xf32, #tpu.memory_space<vmem>> -> memref<1x64x128xf32, #tpu.memory_space<vmem>>
        %dma_start3A_39 = tpu.memref_squeeze %dma_start3A_38 : memref<1x64x128xf32, #tpu.memory_space<vmem>> -> memref<64x128xf32, #tpu.memory_space<vmem>>
        %dma_start3A_40 = arith.constant 0 : i32
        %dma_start3A_41 = tpu.memref_slice %arg10[%add3A_25, %dma_start3A_40] : memref<10240x128xf32, #tpu.memory_space<vmem_shared>> -> memref<64x128xf32, #tpu.memory_space<vmem_shared>>
        %dma_start3A_42 = arith.constant 0 : i32
        %dma_start3A_43 = arith.constant 0 : i32
        %dma_start3A_44 = tpu.memref_slice %arg9[%run_scoped3A_26, %dma_start3A_42, %dma_start3A_43] : memref<4x64x128xf32, #tpu.memory_space<vmem>> -> memref<1x64x128xf32, #tpu.memory_space<vmem>>
        %dma_start3A_45 = tpu.memref_squeeze %dma_start3A_44 : memref<1x64x128xf32, #tpu.memory_space<vmem>> -> memref<64x128xf32, #tpu.memory_space<vmem>>
        %dma_start3A_46 = arith.constant 0 : i32
        %dma_start3A_47 = tpu.memref_slice %arg10[%add3A_25, %dma_start3A_46] : memref<10240x128xf32, #tpu.memory_space<vmem_shared>> -> memref<64x128xf32, #tpu.memory_space<vmem_shared>>
        tpu.enqueue_dma source(%dma_start3A_47 : memref<64x128xf32, #tpu.memory_space<vmem_shared>>) target(%dma_start3A_45 : memref<64x128xf32, #tpu.memory_space<vmem>>) target_semaphore(%run_scoped3A_36 : memref<!tpu.dma_semaphore, #tpu.memory_space<semaphore_mem>>)
        %dma_wait3A = arith.constant 0 : i32
        %dma_wait3A_48 = arith.constant 0 : i32
        %dma_wait3A_49 = tpu.memref_slice %arg9[%run_scoped3A_26, %dma_wait3A, %dma_wait3A_48] : memref<4x64x128xf32, #tpu.memory_space<vmem>> -> memref<1x64x128xf32, #tpu.memory_space<vmem>>
        %dma_wait3A_50 = tpu.memref_squeeze %dma_wait3A_49 : memref<1x64x128xf32, #tpu.memory_space<vmem>> -> memref<64x128xf32, #tpu.memory_space<vmem>>
        %dma_wait3A_51 = arith.constant 0 : i32
        %dma_wait3A_52 = tpu.memref_slice %arg10[%add3A_25, %dma_wait3A_51] : memref<10240x128xf32, #tpu.memory_space<vmem_shared>> -> memref<64x128xf32, #tpu.memory_space<vmem_shared>>
        %dma_wait3A_53 = arith.constant 0 : i32
        %dma_wait3A_54 = arith.constant 0 : i32
        %dma_wait3A_55 = tpu.memref_slice %arg9[%run_scoped3A_26, %dma_wait3A_53, %dma_wait3A_54] : memref<4x64x128xf32, #tpu.memory_space<vmem>> -> memref<1x64x128xf32, #tpu.memory_space<vmem>>
        %dma_wait3A_56 = tpu.memref_squeeze %dma_wait3A_55 : memref<1x64x128xf32, #tpu.memory_space<vmem>> -> memref<64x128xf32, #tpu.memory_space<vmem>>
        %dma_wait3A_57 = arith.constant 0 : i32
        %dma_wait3A_58 = tpu.memref_slice %arg10[%add3A_25, %dma_wait3A_57] : memref<10240x128xf32, #tpu.memory_space<vmem_shared>> -> memref<64x128xf32, #tpu.memory_space<vmem_shared>>
        tpu.wait_dma2 semaphore(%run_scoped3A_36 : memref<!tpu.dma_semaphore, #tpu.memory_space<semaphore_mem>>) src(%dma_wait3A_58 : memref<64x128xf32, #tpu.memory_space<vmem_shared>>) dst(%dma_wait3A_56 : memref<64x128xf32, #tpu.memory_space<vmem>>)
        tpu.yield
      }) : () -> ()
      %mul3A_27 = arith.constant 10240 : i32
      %mul3A_28 = arith.muli %arg0, %mul3A_27 : i32
      %mul3A_29 = arith.constant 640 : i32
      %mul3A_30 = arith.muli %arg1, %mul3A_29 : i32
      %add3A_31 = arith.addi %mul3A_28, %mul3A_30 : i32
      %mul3A_32 = arith.constant 64 : i32
      %mul3A_33 = arith.muli %add3A_20, %mul3A_32 : i32
      %add3A_34 = arith.addi %add3A_31, %mul3A_33 : i32
      %run_scoped3A_35 = arith.constant 0 : i32
      "tpu.region"() ({
        %run_scoped3A_36 = tpu.sem_alloc : memref<!tpu.dma_semaphore, #tpu.memory_space<semaphore_mem>>
        %dma_start3A = arith.constant 0 : i32
        %dma_start3A_37 = arith.constant 0 : i32
        %dma_start3A_38 = tpu.memref_slice %arg9[%run_scoped3A_35, %dma_start3A, %dma_start3A_37] : memref<4x64x128xf32, #tpu.memory_space<vmem>> -> memref<1x64x128xf32, #tpu.memory_space<vmem>>
        %dma_start3A_39 = tpu.memref_squeeze %dma_start3A_38 : memref<1x64x128xf32, #tpu.memory_space<vmem>> -> memref<64x128xf32, #tpu.memory_space<vmem>>
        %dma_start3A_40 = arith.constant 0 : i32
        %dma_start3A_41 = tpu.memref_slice %arg6[%add3A_34, %dma_start3A_40] : memref<20480x128xf32, #tpu.memory_space<hbm>> -> memref<64x128xf32, #tpu.memory_space<hbm>>
        %dma_start3A_42 = arith.constant 0 : i32
        %dma_start3A_43 = tpu.memref_slice %arg6[%add3A_34, %dma_start3A_42] : memref<20480x128xf32, #tpu.memory_space<hbm>> -> memref<64x128xf32, #tpu.memory_space<hbm>>
        %dma_start3A_44 = arith.constant 0 : i32
        %dma_start3A_45 = arith.constant 0 : i32
        %dma_start3A_46 = tpu.memref_slice %arg9[%run_scoped3A_35, %dma_start3A_44, %dma_start3A_45] : memref<4x64x128xf32, #tpu.memory_space<vmem>> -> memref<1x64x128xf32, #tpu.memory_space<vmem>>
        %dma_start3A_47 = tpu.memref_squeeze %dma_start3A_46 : memref<1x64x128xf32, #tpu.memory_space<vmem>> -> memref<64x128xf32, #tpu.memory_space<vmem>>
        tpu.enqueue_dma source(%dma_start3A_47 : memref<64x128xf32, #tpu.memory_space<vmem>>) target(%dma_start3A_43 : memref<64x128xf32, #tpu.memory_space<hbm>>) target_semaphore(%run_scoped3A_36 : memref<!tpu.dma_semaphore, #tpu.memory_space<semaphore_mem>>)
        %dma_wait3A = arith.constant 0 : i32
        %dma_wait3A_48 = arith.constant 0 : i32
        %dma_wait3A_49 = tpu.memref_slice %arg9[%run_scoped3A_35, %dma_wait3A, %dma_wait3A_48] : memref<4x64x128xf32, #tpu.memory_space<vmem>> -> memref<1x64x128xf32, #tpu.memory_space<vmem>>
        %dma_wait3A_50 = tpu.memref_squeeze %dma_wait3A_49 : memref<1x64x128xf32, #tpu.memory_space<vmem>> -> memref<64x128xf32, #tpu.memory_space<vmem>>
        %dma_wait3A_51 = arith.constant 0 : i32
        %dma_wait3A_52 = tpu.memref_slice %arg6[%add3A_34, %dma_wait3A_51] : memref<20480x128xf32, #tpu.memory_space<hbm>> -> memref<64x128xf32, #tpu.memory_space<hbm>>
        %dma_wait3A_53 = arith.constant 0 : i32
        %dma_wait3A_54 = tpu.memref_slice %arg6[%add3A_34, %dma_wait3A_53] : memref<20480x128xf32, #tpu.memory_space<hbm>> -> memref<64x128xf32, #tpu.memory_space<hbm>>
        %dma_wait3A_55 = arith.constant 0 : i32
        %dma_wait3A_56 = arith.constant 0 : i32
        %dma_wait3A_57 = tpu.memref_slice %arg9[%run_scoped3A_35, %dma_wait3A_55, %dma_wait3A_56] : memref<4x64x128xf32, #tpu.memory_space<vmem>> -> memref<1x64x128xf32, #tpu.memory_space<vmem>>
        %dma_wait3A_58 = tpu.memref_squeeze %dma_wait3A_57 : memref<1x64x128xf32, #tpu.memory_space<vmem>> -> memref<64x128xf32, #tpu.memory_space<vmem>>
        tpu.wait_dma2 semaphore(%run_scoped3A_36 : memref<!tpu.dma_semaphore, #tpu.memory_space<semaphore_mem>>) src(%dma_wait3A_58 : memref<64x128xf32, #tpu.memory_space<vmem>>) dst(%dma_wait3A_54 : memref<64x128xf32, #tpu.memory_space<hbm>>)
        tpu.yield
      }) : () -> ()
    }
    %scan3A_15 = arith.constant 10 : i32
    return
  }
}

module attributes {stable_mosaic.version = 14 : i64} {
  func.func @_k2_body(%arg0: i32, %arg1: memref<2x1024x1xf32, #tpu.memory_space<vmem>>, %arg2: memref<1024x128xf32, #tpu.memory_space<vmem>>, %arg3: memref<1024x128xf32, #tpu.memory_space<vmem>>) attributes {dimension_semantics = [#tpu.dimension_semantics<arbitrary>], iteration_bounds = array<i64: 10>, scalar_prefetch = 0 : i64, scratch_operands = 0 : i64, tpu.core_type = #tpu.core_type<tc>, window_params = [{transform_indices = @transform_0, window_bounds = array<i64: 2, 1024, 1>}, {transform_indices = @transform_1, window_bounds = array<i64: 1024, 128>}, {transform_indices = @transform_2, window_bounds = array<i64: 1024, 128>}]} {
    %get3A = arith.constant 0 : index
    %get3A_0 = arith.constant 0 : index
    %get3A_1 = arith.constant 0 : index
    %get3A_2 = vector.load %arg1[%get3A, %get3A_0, %get3A_1] : memref<2x1024x1xf32, #tpu.memory_space<vmem>>, vector<2x1024x1xf32>
    %slice3A = vector.extract_strided_slice %get3A_2 {offsets = [0, 0, 0], sizes = [1, 1024, 1], strides = [1, 1, 1]} : vector<2x1024x1xf32> to vector<1x1024x1xf32>
    %squeeze3A = vector.shape_cast %slice3A : vector<1x1024x1xf32> to vector<1024x1xf32>
    %slice3A_3 = vector.extract_strided_slice %get3A_2 {offsets = [1, 0, 0], sizes = [1, 1024, 1], strides = [1, 1, 1]} : vector<2x1024x1xf32> to vector<1x1024x1xf32>
    %squeeze3A_4 = vector.shape_cast %slice3A_3 : vector<1x1024x1xf32> to vector<1024x1xf32>
    %add3A = arith.addf %squeeze3A, %squeeze3A_4 : vector<1024x1xf32>
    %add3A_5 = arith.constant 1.000000e+00 : f32
    %add3A_6 = vector.broadcast %add3A_5 : f32 to vector<1024x1xf32>
    %add3A_7 = arith.addf %add3A, %add3A_6 : vector<1024x1xf32>
    %rsqrt3A = math.rsqrt %add3A_7 : vector<1024x1xf32>
    %get3A_8 = arith.constant 0 : index
    %get3A_9 = arith.constant 0 : index
    %get3A_10 = vector.load %arg2[%get3A_8, %get3A_9] : memref<1024x128xf32, #tpu.memory_space<vmem>>, vector<1024x128xf32>
    %mul3A = vector.broadcast %rsqrt3A : vector<1024x1xf32> to vector<1024x128xf32>
    %mul3A_11 = arith.mulf %get3A_10, %mul3A : vector<1024x128xf32>
    %swap3A = arith.constant 0 : index
    %swap3A_12 = arith.constant 0 : index
    %swap3A_13 = vector.load %arg3[%swap3A, %swap3A_12] : memref<1024x128xf32, #tpu.memory_space<vmem>>, vector<1024x128xf32>
    tpu.vector_store %arg3[%swap3A, %swap3A_12], %mul3A_11 {strides = array<i32>} : memref<1024x128xf32, #tpu.memory_space<vmem>>, vector<1024x128xf32>,
    return
  }
  func.func @transform_0(%arg0: i32) -> (i32, i32, i32) {
    %c0_i32 = arith.constant 0 : i32
    %c0_i32_0 = arith.constant 0 : i32
    %c0_i32_1 = arith.constant 0 : i32
    return %c0_i32, %arg0, %c0_i32_0 : i32, i32, i32
  }
  func.func @transform_1(%arg0: i32) -> (i32, i32) {
    %c0_i32 = arith.constant 0 : i32
    %c0_i32_0 = arith.constant 0 : i32
    return %arg0, %c0_i32 : i32, i32
  }
  func.func @transform_2(%arg0: i32) -> (i32, i32) {
    %c0_i32 = arith.constant 0 : i32
    %c0_i32_0 = arith.constant 0 : i32
    return %arg0, %c0_i32 : i32, i32
  }
}

module attributes {stable_mosaic.version = 14 : i64} {
  func.func @_k4_body(%arg0: i32, %arg1: memref<2x1024x1xf32, #tpu.memory_space<vmem>>, %arg2: memref<2x1024x128xf32, #tpu.memory_space<vmem>>, %arg3: memref<1024x128xf32, #tpu.memory_space<vmem>>, %arg4: memref<3x128x128xf32, #tpu.memory_space<vmem>>, %arg5: memref<3x128xf32, #tpu.memory_space<vmem>>, %arg6: memref<128x2xf32, #tpu.memory_space<vmem>>, %arg7: memref<3x1024x128xf32, #tpu.memory_space<vmem>>, %arg8: memref<3x1024xf32, #tpu.memory_space<vmem>>, %arg9: memref<3x1024xf32, #tpu.memory_space<vmem>>) attributes {dimension_semantics = [#tpu.dimension_semantics<arbitrary>], iteration_bounds = array<i64: 10>, scalar_prefetch = 0 : i64, scratch_operands = 0 : i64, tpu.core_type = #tpu.core_type<tc>, window_params = [{transform_indices = @transform_0, window_bounds = array<i64: 2, 1024, 1>}, {transform_indices = @transform_1, window_bounds = array<i64: 2, 1024, 128>}, {transform_indices = @transform_2, window_bounds = array<i64: 1024, 128>}, {pipeline_mode = #tpu.pipeline_mode<synchronous>, transform_indices = @transform_3, window_bounds = array<i64: 3, 128, 128>}, {pipeline_mode = #tpu.pipeline_mode<synchronous>, transform_indices = @transform_4, window_bounds = array<i64: 3, 128>}, {pipeline_mode = #tpu.pipeline_mode<synchronous>, transform_indices = @transform_5, window_bounds = array<i64: 128, 2>}, {transform_indices = @transform_6, window_bounds = array<i64: 3, 1024, 128>}, {transform_indices = @transform_7, window_bounds = array<i64: 3, 1024>}, {transform_indices = @transform_8, window_bounds = array<i64: 3, 1024>}]} {
    %get3A = arith.constant 0 : index
    %get3A_0 = arith.constant 0 : index
    %get3A_1 = arith.constant 0 : index
    %get3A_2 = vector.load %arg1[%get3A, %get3A_0, %get3A_1] : memref<2x1024x1xf32, #tpu.memory_space<vmem>>, vector<2x1024x1xf32>
    %slice3A = vector.extract_strided_slice %get3A_2 {offsets = [0, 0, 0], sizes = [1, 1024, 1], strides = [1, 1, 1]} : vector<2x1024x1xf32> to vector<1x1024x1xf32>
    %squeeze3A = vector.shape_cast %slice3A : vector<1x1024x1xf32> to vector<1024x1xf32>
    %slice3A_3 = vector.extract_strided_slice %get3A_2 {offsets = [1, 0, 0], sizes = [1, 1024, 1], strides = [1, 1, 1]} : vector<2x1024x1xf32> to vector<1x1024x1xf32>
    %squeeze3A_4 = vector.shape_cast %slice3A_3 : vector<1x1024x1xf32> to vector<1024x1xf32>
    %add3A = arith.addf %squeeze3A, %squeeze3A_4 : vector<1024x1xf32>
    %add3A_5 = arith.constant 1.000000e+00 : f32
    %add3A_6 = vector.broadcast %add3A_5 : f32 to vector<1024x1xf32>
    %add3A_7 = arith.addf %add3A, %add3A_6 : vector<1024x1xf32>
    %rsqrt3A = math.rsqrt %add3A_7 : vector<1024x1xf32>
    %get3A_8 = arith.constant 0 : index
    %get3A_9 = arith.constant 0 : index
    %get3A_10 = arith.constant 0 : index
    %get3A_11 = vector.load %arg2[%get3A_8, %get3A_9, %get3A_10] : memref<2x1024x128xf32, #tpu.memory_space<vmem>>, vector<2x1024x128xf32>
    %slice3A_12 = vector.extract_strided_slice %get3A_11 {offsets = [0, 0, 0], sizes = [1, 1024, 128], strides = [1, 1, 1]} : vector<2x1024x128xf32> to vector<1x1024x128xf32>
    %squeeze3A_13 = vector.shape_cast %slice3A_12 : vector<1x1024x128xf32> to vector<1024x128xf32>
    %slice3A_14 = vector.extract_strided_slice %get3A_11 {offsets = [1, 0, 0], sizes = [1, 1024, 128], strides = [1, 1, 1]} : vector<2x1024x128xf32> to vector<1x1024x128xf32>
    %squeeze3A_15 = vector.shape_cast %slice3A_14 : vector<1x1024x128xf32> to vector<1024x128xf32>
    %add3A_16 = arith.addf %squeeze3A_13, %squeeze3A_15 : vector<1024x128xf32>
    %mul3A = vector.broadcast %rsqrt3A : vector<1024x1xf32> to vector<1024x128xf32>
    %mul3A_17 = arith.mulf %mul3A, %add3A_16 : vector<1024x128xf32>
    %mul3A_18 = arith.mulf %rsqrt3A, %rsqrt3A : vector<1024x1xf32>
    %get3A_19 = arith.constant 0 : index
    %get3A_20 = arith.constant 0 : index
    %get3A_21 = vector.load %arg3[%get3A_19, %get3A_20] : memref<1024x128xf32, #tpu.memory_space<vmem>>, vector<1024x128xf32>
    %mul3A_22 = vector.broadcast %mul3A_18 : vector<1024x1xf32> to vector<1024x128xf32>
    %mul3A_23 = arith.mulf %mul3A_22, %get3A_21 : vector<1024x128xf32>
    %add3A_24 = arith.addf %mul3A_17, %mul3A_23 : vector<1024x128xf32>
    %get3A_25 = arith.constant 0 : index
    %get3A_26 = arith.constant 0 : index
    %get3A_27 = vector.load %arg6[%get3A_25, %get3A_26] : memref<128x2xf32, #tpu.memory_space<vmem>>, vector<128x2xf32>
    %get3A_28 = arith.constant 0 : index
    %get3A_29 = arith.constant 0 : index
    %get3A_30 = arith.constant 0 : index
    %get3A_31 = vector.load %arg4[%get3A_28, %get3A_29, %get3A_30] : memref<3x128x128xf32, #tpu.memory_space<vmem>>, vector<1x128x128xf32>
    %get3A_32 = vector.shape_cast %get3A_31 : vector<1x128x128xf32> to vector<128x128xf32>
    %dot_general3A = arith.constant dense<0.000000e+00> : vector<1024x128xf32>
    %dot_general3A_33 = tpu.matmul %add3A_24, %get3A_32, %dot_general3A {dimension_numbers = #tpu.dot_dimension_numbers<[1], [0], [0], [1], [0, 0, 1, 1], [], []>, precision = #tpu.contract_precision<fp32>, transpose_lhs_hint = false} : vector<1024x128xf32>, vector<128x128xf32>, vector<1024x128xf32> -> vector<1024x128xf32>
    %get3A_34 = arith.constant 0 : index
    %get3A_35 = arith.constant 0 : index
    %get3A_36 = vector.load %arg5[%get3A_34, %get3A_35] : memref<3x128xf32, #tpu.memory_space<vmem>>, vector<1x128xf32>
    %get3A_37 = vector.shape_cast %get3A_36 : vector<1x128xf32> to vector<128xf32>
    %broadcast_in_dim3A = vector.shape_cast %get3A_37 : vector<128xf32> to vector<1x128xf32>
    %add3A_38 = vector.broadcast %broadcast_in_dim3A : vector<1x128xf32> to vector<1024x128xf32>
    %add3A_39 = arith.addf %dot_general3A_33, %add3A_38 : vector<1024x128xf32>
    %max3A = arith.constant 0.000000e+00 : f32
    %max3A_40 = vector.broadcast %max3A : f32 to vector<1024x128xf32>
    %max3A_41 = arith.maximumf %add3A_39, %max3A_40 : vector<1024x128xf32>
    %swap3A = arith.constant 0 : index
    %swap3A_42 = arith.constant 0 : index
    %swap3A_43 = arith.constant 0 : index
    %swap3A_44 = vector.load %arg7[%swap3A, %swap3A_42, %swap3A_43] : memref<3x1024x128xf32, #tpu.memory_space<vmem>>, vector<1x1024x128xf32>
    %swap3A_45 = vector.shape_cast %swap3A_44 : vector<1x1024x128xf32> to vector<1024x128xf32>
    %swap3A_46 = vector.shape_cast %max3A_41 : vector<1024x128xf32> to vector<1x1024x128xf32>
    tpu.vector_store %arg7[%swap3A, %swap3A_42, %swap3A_43], %swap3A_46 {strides = array<i32>} : memref<3x1024x128xf32, #tpu.memory_space<vmem>>, vector<1x1024x128xf32>,
    %dot_general3A_47 = arith.constant dense<0.000000e+00> : vector<1024x2xf32>
    %dot_general3A_48 = tpu.matmul %max3A_41, %get3A_27, %dot_general3A_47 {dimension_numbers = #tpu.dot_dimension_numbers<[1], [0], [0], [1], [0, 0, 1, 1], [], []>, precision = #tpu.contract_precision<fp32>, transpose_lhs_hint = false} : vector<1024x128xf32>, vector<128x2xf32>, vector<1024x2xf32> -> vector<1024x2xf32>
    %slice3A_49 = vector.extract_strided_slice %dot_general3A_48 {offsets = [0, 0], sizes = [1024, 1], strides = [1, 1]} : vector<1024x2xf32> to vector<1024x1xf32>
    %squeeze3A_50 = vector.shape_cast %slice3A_49 : vector<1024x1xf32> to vector<1024xf32>
    %swap3A_51 = arith.constant 0 : index
    %swap3A_52 = arith.constant 0 : index
    %swap3A_53 = vector.load %arg8[%swap3A_51, %swap3A_52] : memref<3x1024xf32, #tpu.memory_space<vmem>>, vector<1x1024xf32>
    %swap3A_54 = vector.shape_cast %swap3A_53 : vector<1x1024xf32> to vector<1024xf32>
    %swap3A_55 = vector.shape_cast %squeeze3A_50 : vector<1024xf32> to vector<1x1024xf32>
    tpu.vector_store %arg8[%swap3A_51, %swap3A_52], %swap3A_55 {strides = array<i32>} : memref<3x1024xf32, #tpu.memory_space<vmem>>, vector<1x1024xf32>,
    %slice3A_56 = vector.extract_strided_slice %dot_general3A_48 {offsets = [0, 1], sizes = [1024, 1], strides = [1, 1]} : vector<1024x2xf32> to vector<1024x1xf32>
    %squeeze3A_57 = vector.shape_cast %slice3A_56 : vector<1024x1xf32> to vector<1024xf32>
    %swap3A_58 = arith.constant 0 : index
    %swap3A_59 = arith.constant 0 : index
    %swap3A_60 = vector.load %arg9[%swap3A_58, %swap3A_59] : memref<3x1024xf32, #tpu.memory_space<vmem>>, vector<1x1024xf32>
    %swap3A_61 = vector.shape_cast %swap3A_60 : vector<1x1024xf32> to vector<1024xf32>
    %swap3A_62 = vector.shape_cast %squeeze3A_57 : vector<1024xf32> to vector<1x1024xf32>
    tpu.vector_store %arg9[%swap3A_58, %swap3A_59], %swap3A_62 {strides = array<i32>} : memref<3x1024xf32, #tpu.memory_space<vmem>>, vector<1x1024xf32>,
    %get3A_63 = arith.constant 1 : index
    %get3A_64 = arith.constant 0 : index
    %get3A_65 = arith.constant 0 : index
    %get3A_66 = vector.load %arg4[%get3A_63, %get3A_64, %get3A_65] : memref<3x128x128xf32, #tpu.memory_space<vmem>>, vector<1x128x128xf32>
    %get3A_67 = vector.shape_cast %get3A_66 : vector<1x128x128xf32> to vector<128x128xf32>
    %dot_general3A_68 = arith.constant dense<0.000000e+00> : vector<1024x128xf32>
    %dot_general3A_69 = tpu.matmul %add3A_24, %get3A_67, %dot_general3A_68 {dimension_numbers = #tpu.dot_dimension_numbers<[1], [0], [0], [1], [0, 0, 1, 1], [], []>, precision = #tpu.contract_precision<fp32>, transpose_lhs_hint = false} : vector<1024x128xf32>, vector<128x128xf32>, vector<1024x128xf32> -> vector<1024x128xf32>
    %get3A_70 = arith.constant 1 : index
    %get3A_71 = arith.constant 0 : index
    %get3A_72 = vector.load %arg5[%get3A_70, %get3A_71] : memref<3x128xf32, #tpu.memory_space<vmem>>, vector<1x128xf32>
    %get3A_73 = vector.shape_cast %get3A_72 : vector<1x128xf32> to vector<128xf32>
    %broadcast_in_dim3A_74 = vector.shape_cast %get3A_73 : vector<128xf32> to vector<1x128xf32>
    %add3A_75 = vector.broadcast %broadcast_in_dim3A_74 : vector<1x128xf32> to vector<1024x128xf32>
    %add3A_76 = arith.addf %dot_general3A_69, %add3A_75 : vector<1024x128xf32>
    %max3A_77 = arith.constant 0.000000e+00 : f32
    %max3A_78 = vector.broadcast %max3A_77 : f32 to vector<1024x128xf32>
    %max3A_79 = arith.maximumf %add3A_76, %max3A_78 : vector<1024x128xf32>
    %swap3A_80 = arith.constant 1 : index
    %swap3A_81 = arith.constant 0 : index
    %swap3A_82 = arith.constant 0 : index
    %swap3A_83 = vector.load %arg7[%swap3A_80, %swap3A_81, %swap3A_82] : memref<3x1024x128xf32, #tpu.memory_space<vmem>>, vector<1x1024x128xf32>
    %swap3A_84 = vector.shape_cast %swap3A_83 : vector<1x1024x128xf32> to vector<1024x128xf32>
    %swap3A_85 = vector.shape_cast %max3A_79 : vector<1024x128xf32> to vector<1x1024x128xf32>
    tpu.vector_store %arg7[%swap3A_80, %swap3A_81, %swap3A_82], %swap3A_85 {strides = array<i32>} : memref<3x1024x128xf32, #tpu.memory_space<vmem>>, vector<1x1024x128xf32>,
    %dot_general3A_86 = arith.constant dense<0.000000e+00> : vector<1024x2xf32>
    %dot_general3A_87 = tpu.matmul %max3A_79, %get3A_27, %dot_general3A_86 {dimension_numbers = #tpu.dot_dimension_numbers<[1], [0], [0], [1], [0, 0, 1, 1], [], []>, precision = #tpu.contract_precision<fp32>, transpose_lhs_hint = false} : vector<1024x128xf32>, vector<128x2xf32>, vector<1024x2xf32> -> vector<1024x2xf32>
    %slice3A_88 = vector.extract_strided_slice %dot_general3A_87 {offsets = [0, 0], sizes = [1024, 1], strides = [1, 1]} : vector<1024x2xf32> to vector<1024x1xf32>
    %squeeze3A_89 = vector.shape_cast %slice3A_88 : vector<1024x1xf32> to vector<1024xf32>
    %swap3A_90 = arith.constant 1 : index
    %swap3A_91 = arith.constant 0 : index
    %swap3A_92 = vector.load %arg8[%swap3A_90, %swap3A_91] : memref<3x1024xf32, #tpu.memory_space<vmem>>, vector<1x1024xf32>
    %swap3A_93 = vector.shape_cast %swap3A_92 : vector<1x1024xf32> to vector<1024xf32>
    %swap3A_94 = vector.shape_cast %squeeze3A_89 : vector<1024xf32> to vector<1x1024xf32>
    tpu.vector_store %arg8[%swap3A_90, %swap3A_91], %swap3A_94 {strides = array<i32>} : memref<3x1024xf32, #tpu.memory_space<vmem>>, vector<1x1024xf32>,
    %slice3A_95 = vector.extract_strided_slice %dot_general3A_87 {offsets = [0, 1], sizes = [1024, 1], strides = [1, 1]} : vector<1024x2xf32> to vector<1024x1xf32>
    %squeeze3A_96 = vector.shape_cast %slice3A_95 : vector<1024x1xf32> to vector<1024xf32>
    %swap3A_97 = arith.constant 1 : index
    %swap3A_98 = arith.constant 0 : index
    %swap3A_99 = vector.load %arg9[%swap3A_97, %swap3A_98] : memref<3x1024xf32, #tpu.memory_space<vmem>>, vector<1x1024xf32>
    %swap3A_100 = vector.shape_cast %swap3A_99 : vector<1x1024xf32> to vector<1024xf32>
    %swap3A_101 = vector.shape_cast %squeeze3A_96 : vector<1024xf32> to vector<1x1024xf32>
    tpu.vector_store %arg9[%swap3A_97, %swap3A_98], %swap3A_101 {strides = array<i32>} : memref<3x1024xf32, #tpu.memory_space<vmem>>, vector<1x1024xf32>,
    %get3A_102 = arith.constant 2 : index
    %get3A_103 = arith.constant 0 : index
    %get3A_104 = arith.constant 0 : index
    %get3A_105 = vector.load %arg4[%get3A_102, %get3A_103, %get3A_104] : memref<3x128x128xf32, #tpu.memory_space<vmem>>, vector<1x128x128xf32>
    %get3A_106 = vector.shape_cast %get3A_105 : vector<1x128x128xf32> to vector<128x128xf32>
    %dot_general3A_107 = arith.constant dense<0.000000e+00> : vector<1024x128xf32>
    %dot_general3A_108 = tpu.matmul %add3A_24, %get3A_106, %dot_general3A_107 {dimension_numbers = #tpu.dot_dimension_numbers<[1], [0], [0], [1], [0, 0, 1, 1], [], []>, precision = #tpu.contract_precision<fp32>, transpose_lhs_hint = false} : vector<1024x128xf32>, vector<128x128xf32>, vector<1024x128xf32> -> vector<1024x128xf32>
    %get3A_109 = arith.constant 2 : index
    %get3A_110 = arith.constant 0 : index
    %get3A_111 = vector.load %arg5[%get3A_109, %get3A_110] : memref<3x128xf32, #tpu.memory_space<vmem>>, vector<1x128xf32>
    %get3A_112 = vector.shape_cast %get3A_111 : vector<1x128xf32> to vector<128xf32>
    %broadcast_in_dim3A_113 = vector.shape_cast %get3A_112 : vector<128xf32> to vector<1x128xf32>
    %add3A_114 = vector.broadcast %broadcast_in_dim3A_113 : vector<1x128xf32> to vector<1024x128xf32>
    %add3A_115 = arith.addf %dot_general3A_108, %add3A_114 : vector<1024x128xf32>
    %max3A_116 = arith.constant 0.000000e+00 : f32
    %max3A_117 = vector.broadcast %max3A_116 : f32 to vector<1024x128xf32>
    %max3A_118 = arith.maximumf %add3A_115, %max3A_117 : vector<1024x128xf32>
    %swap3A_119 = arith.constant 2 : index
    %swap3A_120 = arith.constant 0 : index
    %swap3A_121 = arith.constant 0 : index
    %swap3A_122 = vector.load %arg7[%swap3A_119, %swap3A_120, %swap3A_121] : memref<3x1024x128xf32, #tpu.memory_space<vmem>>, vector<1x1024x128xf32>
    %swap3A_123 = vector.shape_cast %swap3A_122 : vector<1x1024x128xf32> to vector<1024x128xf32>
    %swap3A_124 = vector.shape_cast %max3A_118 : vector<1024x128xf32> to vector<1x1024x128xf32>
    tpu.vector_store %arg7[%swap3A_119, %swap3A_120, %swap3A_121], %swap3A_124 {strides = array<i32>} : memref<3x1024x128xf32, #tpu.memory_space<vmem>>, vector<1x1024x128xf32>,
    %dot_general3A_125 = arith.constant dense<0.000000e+00> : vector<1024x2xf32>
    %dot_general3A_126 = tpu.matmul %max3A_118, %get3A_27, %dot_general3A_125 {dimension_numbers = #tpu.dot_dimension_numbers<[1], [0], [0], [1], [0, 0, 1, 1], [], []>, precision = #tpu.contract_precision<fp32>, transpose_lhs_hint = false} : vector<1024x128xf32>, vector<128x2xf32>, vector<1024x2xf32> -> vector<1024x2xf32>
    %slice3A_127 = vector.extract_strided_slice %dot_general3A_126 {offsets = [0, 0], sizes = [1024, 1], strides = [1, 1]} : vector<1024x2xf32> to vector<1024x1xf32>
    %squeeze3A_128 = vector.shape_cast %slice3A_127 : vector<1024x1xf32> to vector<1024xf32>
    %swap3A_129 = arith.constant 2 : index
    %swap3A_130 = arith.constant 0 : index
    %swap3A_131 = vector.load %arg8[%swap3A_129, %swap3A_130] : memref<3x1024xf32, #tpu.memory_space<vmem>>, vector<1x1024xf32>
    %swap3A_132 = vector.shape_cast %swap3A_131 : vector<1x1024xf32> to vector<1024xf32>
    %swap3A_133 = vector.shape_cast %squeeze3A_128 : vector<1024xf32> to vector<1x1024xf32>
    tpu.vector_store %arg8[%swap3A_129, %swap3A_130], %swap3A_133 {strides = array<i32>} : memref<3x1024xf32, #tpu.memory_space<vmem>>, vector<1x1024xf32>,
    %slice3A_134 = vector.extract_strided_slice %dot_general3A_126 {offsets = [0, 1], sizes = [1024, 1], strides = [1, 1]} : vector<1024x2xf32> to vector<1024x1xf32>
    %squeeze3A_135 = vector.shape_cast %slice3A_134 : vector<1024x1xf32> to vector<1024xf32>
    %swap3A_136 = arith.constant 2 : index
    %swap3A_137 = arith.constant 0 : index
    %swap3A_138 = vector.load %arg9[%swap3A_136, %swap3A_137] : memref<3x1024xf32, #tpu.memory_space<vmem>>, vector<1x1024xf32>
    %swap3A_139 = vector.shape_cast %swap3A_138 : vector<1x1024xf32> to vector<1024xf32>
    %swap3A_140 = vector.shape_cast %squeeze3A_135 : vector<1024xf32> to vector<1x1024xf32>
    tpu.vector_store %arg9[%swap3A_136, %swap3A_137], %swap3A_140 {strides = array<i32>} : memref<3x1024xf32, #tpu.memory_space<vmem>>, vector<1x1024xf32>,
    return
  }
  func.func @transform_0(%arg0: i32) -> (i32, i32, i32) {
    %c0_i32 = arith.constant 0 : i32
    %c0_i32_0 = arith.constant 0 : i32
    %c0_i32_1 = arith.constant 0 : i32
    return %c0_i32, %arg0, %c0_i32_0 : i32, i32, i32
  }
  func.func @transform_1(%arg0: i32) -> (i32, i32, i32) {
    %c0_i32 = arith.constant 0 : i32
    %c0_i32_0 = arith.constant 0 : i32
    %c0_i32_1 = arith.constant 0 : i32
    return %c0_i32, %arg0, %c0_i32_0 : i32, i32, i32
  }
  func.func @transform_2(%arg0: i32) -> (i32, i32) {
    %c0_i32 = arith.constant 0 : i32
    %c0_i32_0 = arith.constant 0 : i32
    return %arg0, %c0_i32 : i32, i32
  }
  func.func @transform_3(%arg0: i32) -> (i32, i32, i32) {
    %c0_i32 = arith.constant 0 : i32
    %c0_i32_0 = arith.constant 0 : i32
    %c0_i32_1 = arith.constant 0 : i32
    %c0_i32_2 = arith.constant 0 : i32
    return %c0_i32, %c0_i32_0, %c0_i32_1 : i32, i32, i32
  }
  func.func @transform_4(%arg0: i32) -> (i32, i32) {
    %c0_i32 = arith.constant 0 : i32
    %c0_i32_0 = arith.constant 0 : i32
    %c0_i32_1 = arith.constant 0 : i32
    return %c0_i32, %c0_i32_0 : i32, i32
  }
  func.func @transform_5(%arg0: i32) -> (i32, i32) {
    %c0_i32 = arith.constant 0 : i32
    %c0_i32_0 = arith.constant 0 : i32
    %c0_i32_1 = arith.constant 0 : i32
    return %c0_i32, %c0_i32_0 : i32, i32
  }
  func.func @transform_6(%arg0: i32) -> (i32, i32, i32) {
    %c0_i32 = arith.constant 0 : i32
    %c0_i32_0 = arith.constant 0 : i32
    %c0_i32_1 = arith.constant 0 : i32
    return %c0_i32, %arg0, %c0_i32_0 : i32, i32, i32
  }
  func.func @transform_7(%arg0: i32) -> (i32, i32) {
    %c0_i32 = arith.constant 0 : i32
    %c0_i32_0 = arith.constant 0 : i32
    return %c0_i32, %arg0 : i32, i32
  }
  func.func @transform_8(%arg0: i32) -> (i32, i32) {
    %c0_i32 = arith.constant 0 : i32
    %c0_i32_0 = arith.constant 0 : i32
    return %c0_i32, %arg0 : i32, i32
  }
}

module attributes {stable_mosaic.version = 14 : i64} {
  func.func @_k6_body(%arg0: memref<3x10240x128xf32, #tpu.memory_space<vmem>>, %arg1: memref<2x3x10240xf32, #tpu.memory_space<vmem>>, %arg2: memref<3x10240xf32, #tpu.memory_space<vmem>>, %arg3: memref<1x10240xi32, #tpu.memory_space<vmem>>, %arg4: memref<128x128xf32, #tpu.memory_space<vmem>>, %arg5: memref<1x128xf32, #tpu.memory_space<vmem>>, %arg6: memref<128x3xf32, #tpu.memory_space<vmem>>, %arg7: memref<1x3xf32, #tpu.memory_space<vmem>>, %arg8: memref<1x1xf32, #tpu.memory_space<vmem>>, %arg9: memref<10000x128xf32, #tpu.memory_space<vmem>>) attributes {dimension_semantics = [], scalar_prefetch = 0 : i64, scratch_operands = 0 : i64, tpu.core_type = #tpu.core_type<tc>} {
    %get3A = arith.constant 0 : index
    %get3A_0 = arith.constant 0 : index
    %get3A_1 = vector.load %arg3[%get3A, %get3A_0] : memref<1x10240xi32, #tpu.memory_space<vmem>>, vector<1x10240xi32>
    %iota3A = tpu.iota {dimensions = array<i32: 0>} : vector<64x10240xi32>
    %eq3A = vector.broadcast %get3A_1 : vector<1x10240xi32> to vector<64x10240xi32>
    %eq3A_2 = arith.cmpi eq, %eq3A, %iota3A : vector<64x10240xi32>
    %convert_element_type3A = arith.extui %eq3A_2 : vector<64x10240xi1> to vector<64x10240xi32>
    %convert_element_type3A_3 = arith.sitofp %convert_element_type3A : vector<64x10240xi32> to vector<64x10240xf32>
    %get3A_4 = arith.constant 0 : index
    %get3A_5 = arith.constant 0 : index
    %get3A_6 = arith.constant 0 : index
    %get3A_7 = vector.load %arg1[%get3A_4, %get3A_5, %get3A_6] : memref<2x3x10240xf32, #tpu.memory_space<vmem>>, vector<2x3x10240xf32>
    %slice3A = vector.extract_strided_slice %get3A_7 {offsets = [0, 0, 0], sizes = [1, 3, 10240], strides = [1, 1, 1]} : vector<2x3x10240xf32> to vector<1x3x10240xf32>
    %squeeze3A = vector.shape_cast %slice3A : vector<1x3x10240xf32> to vector<3x10240xf32>
    %slice3A_8 = vector.extract_strided_slice %get3A_7 {offsets = [1, 0, 0], sizes = [1, 3, 10240], strides = [1, 1, 1]} : vector<2x3x10240xf32> to vector<1x3x10240xf32>
    %squeeze3A_9 = vector.shape_cast %slice3A_8 : vector<1x3x10240xf32> to vector<3x10240xf32>
    %add3A = arith.addf %squeeze3A, %squeeze3A_9 : vector<3x10240xf32>
    %get3A_10 = arith.constant 0 : index
    %get3A_11 = arith.constant 0 : index
    %get3A_12 = vector.load %arg2[%get3A_10, %get3A_11] : memref<3x10240xf32, #tpu.memory_space<vmem>>, vector<3x10240xf32>
    %get3A_13 = arith.constant 0 : index
    %get3A_14 = arith.constant 0 : index
    %get3A_15 = vector.load %arg8[%get3A_13, %get3A_14] : memref<1x1xf32, #tpu.memory_space<vmem>>, vector<1x1xf32>
    %get3A_16 = arith.constant 0 : index
    %get3A_17 = arith.constant 0 : index
    %get3A_18 = vector.load %arg4[%get3A_16, %get3A_17] : memref<128x128xf32, #tpu.memory_space<vmem>>, vector<128x128xf32>
    %get3A_19 = arith.constant 0 : index
    %get3A_20 = arith.constant 0 : index
    %get3A_21 = vector.load %arg5[%get3A_19, %get3A_20] : memref<1x128xf32, #tpu.memory_space<vmem>>, vector<1x128xf32>
    %get3A_22 = arith.constant 0 : index
    %get3A_23 = arith.constant 0 : index
    %get3A_24 = vector.load %arg6[%get3A_22, %get3A_23] : memref<128x3xf32, #tpu.memory_space<vmem>>, vector<128x3xf32>
    %get3A_25 = arith.constant 0 : index
    %get3A_26 = arith.constant 0 : index
    %get3A_27 = vector.load %arg7[%get3A_25, %get3A_26] : memref<1x3xf32, #tpu.memory_space<vmem>>, vector<1x3xf32>
    %slice3A_28 = vector.extract_strided_slice %add3A {offsets = [0, 0], sizes = [1, 10240], strides = [1, 1]} : vector<3x10240xf32> to vector<1x10240xf32>
    %squeeze3A_29 = vector.shape_cast %slice3A_28 : vector<1x10240xf32> to vector<10240xf32>
    %slice3A_30 = vector.extract_strided_slice %get3A_12 {offsets = [0, 0], sizes = [1, 10240], strides = [1, 1]} : vector<3x10240xf32> to vector<1x10240xf32>
    %squeeze3A_31 = vector.shape_cast %slice3A_30 : vector<1x10240xf32> to vector<10240xf32>
    %add3A_32 = arith.addf %squeeze3A_29, %squeeze3A_31 : vector<10240xf32>
    %broadcast_in_dim3A = vector.shape_cast %add3A_32 : vector<10240xf32> to vector<1x10240xf32>
    %add3A_33 = vector.broadcast %get3A_15 : vector<1x1xf32> to vector<1x10240xf32>
    %add3A_34 = arith.addf %broadcast_in_dim3A, %add3A_33 : vector<1x10240xf32>
    %jit3A = arith.constant -1.000000e+30 : f32
    %broadcast_in_dim3A_35 = vector.shape_cast %add3A_34 : vector<1x10240xf32> to vector<1x10240xf32>
    %broadcast_in_dim3A_36 = vector.broadcast %broadcast_in_dim3A_35 : vector<1x10240xf32> to vector<64x10240xf32>
    %broadcast_in_dim3A_37 = vector.broadcast %jit3A : f32 to vector<64x10240xf32>
    %select_n3A = arith.select %eq3A_2, %broadcast_in_dim3A_36, %broadcast_in_dim3A_37 : vector<64x10240xi1>, vector<64x10240xf32>
    %reduce_max3A = arith.constant dense<0xFF800000> : vector<64xf32>
    %reduce_max3A_38 = vector.multi_reduction <maximumf>, %select_n3A, %reduce_max3A [1] : vector<64x10240xf32> to vector<64xf32>
    %broadcast_in_dim3A_39 = vector.shape_cast %reduce_max3A_38 : vector<64xf32> to vector<64x1xf32>
    %jit3A_40 = arith.constant -1.000000e+30 : f32
    %broadcast_in_dim3A_41 = vector.shape_cast %broadcast_in_dim3A_39 : vector<64x1xf32> to vector<64x1xf32>
    %broadcast_in_dim3A_42 = vector.broadcast %broadcast_in_dim3A_41 : vector<64x1xf32> to vector<64x10240xf32>
    %broadcast_in_dim3A_43 = vector.broadcast %jit3A_40 : f32 to vector<64x10240xf32>
    %select_n3A_44 = arith.select %eq3A_2, %broadcast_in_dim3A_42, %broadcast_in_dim3A_43 : vector<64x10240xi1>, vector<64x10240xf32>
    %reduce_max3A_45 = arith.constant dense<0xFF800000> : vector<10240xf32>
    %reduce_max3A_46 = vector.multi_reduction <maximumf>, %select_n3A_44, %reduce_max3A_45 [0] : vector<64x10240xf32> to vector<10240xf32>
    %broadcast_in_dim3A_47 = vector.shape_cast %reduce_max3A_46 : vector<10240xf32> to vector<1x10240xf32>
    %sub3A = arith.subf %add3A_34, %broadcast_in_dim3A_47 : vector<1x10240xf32>
    %min3A = arith.constant 0.000000e+00 : f32
    %min3A_48 = vector.broadcast %min3A : f32 to vector<1x10240xf32>
    %min3A_49 = arith.minimumf %sub3A, %min3A_48 : vector<1x10240xf32>
    %exp3A = math.exp %min3A_49 : vector<1x10240xf32>
    %mul3A = vector.broadcast %exp3A : vector<1x10240xf32> to vector<64x10240xf32>
    %mul3A_50 = arith.mulf %convert_element_type3A_3, %mul3A : vector<64x10240xf32>
    %reduce_sum3A = arith.constant dense<0.000000e+00> : vector<64xf32>
    %reduce_sum3A_51 = vector.multi_reduction <add>, %mul3A_50, %reduce_sum3A [1] : vector<64x10240xf32> to vector<64xf32>
    %broadcast_in_dim3A_52 = vector.shape_cast %reduce_sum3A_51 : vector<64xf32> to vector<64x1xf32>
    %add3A_53 = arith.constant 1.000000e-16 : f32
    %add3A_54 = vector.broadcast %add3A_53 : f32 to vector<64x1xf32>
    %add3A_55 = arith.addf %broadcast_in_dim3A_52, %add3A_54 : vector<64x1xf32>
    %div3A = vector.broadcast %add3A_55 : vector<64x1xf32> to vector<64x10240xf32>
    %div3A_56 = arith.divf %mul3A_50, %div3A : vector<64x10240xf32>
    %get3A_57 = arith.constant 0 : index
    %get3A_58 = arith.constant 0 : index
    %get3A_59 = arith.constant 0 : index
    %get3A_60 = vector.load %arg0[%get3A_57, %get3A_58, %get3A_59] : memref<3x10240x128xf32, #tpu.memory_space<vmem>>, vector<1x10240x128xf32>
    %get3A_61 = vector.shape_cast %get3A_60 : vector<1x10240x128xf32> to vector<10240x128xf32>
    %dot_general3A = arith.constant dense<0.000000e+00> : vector<64x128xf32>
    %dot_general3A_62 = tpu.matmul %div3A_56, %get3A_61, %dot_general3A {dimension_numbers = #tpu.dot_dimension_numbers<[1], [0], [0], [1], [0, 0, 1, 1], [], []>, precision = #tpu.contract_precision<fp32>, transpose_lhs_hint = false} : vector<64x10240xf32>, vector<10240x128xf32>, vector<64x128xf32> -> vector<64x128xf32>
    %dot_general3A_63 = arith.constant dense<0.000000e+00> : vector<64x128xf32>
    %dot_general3A_64 = tpu.matmul %dot_general3A_62, %get3A_18, %dot_general3A_63 {dimension_numbers = #tpu.dot_dimension_numbers<[1], [0], [0], [1], [0, 0, 1, 1], [], []>, precision = #tpu.contract_precision<fp32>, transpose_lhs_hint = false} : vector<64x128xf32>, vector<128x128xf32>, vector<64x128xf32> -> vector<64x128xf32>
    %add3A_65 = vector.broadcast %get3A_21 : vector<1x128xf32> to vector<64x128xf32>
    %add3A_66 = arith.addf %dot_general3A_64, %add3A_65 : vector<64x128xf32>
    %tanh3A = math.tanh %add3A_66 : vector<64x128xf32>
    %slice3A_67 = vector.extract_strided_slice %get3A_24 {offsets = [0, 0], sizes = [128, 1], strides = [1, 1]} : vector<128x3xf32> to vector<128x1xf32>
    %squeeze3A_68 = vector.shape_cast %slice3A_67 : vector<128x1xf32> to vector<128xf32>
    %broadcast_in_dim3A_69 = vector.shape_cast %squeeze3A_68 : vector<128xf32> to vector<1x128xf32>
    %mul3A_70 = vector.broadcast %broadcast_in_dim3A_69 : vector<1x128xf32> to vector<64x128xf32>
    %mul3A_71 = arith.mulf %tanh3A, %mul3A_70 : vector<64x128xf32>
    %reduce_sum3A_72 = arith.constant dense<0.000000e+00> : vector<64xf32>
    %reduce_sum3A_73 = vector.multi_reduction <add>, %mul3A_71, %reduce_sum3A_72 [1] : vector<64x128xf32> to vector<64xf32>
    %broadcast_in_dim3A_74 = vector.shape_cast %reduce_sum3A_73 : vector<64xf32> to vector<64x1xf32>
    %slice3A_75 = vector.extract_strided_slice %get3A_27 {offsets = [0, 0], sizes = [1, 1], strides = [1, 1]} : vector<1x3xf32> to vector<1x1xf32>
    %add3A_76 = vector.broadcast %slice3A_75 : vector<1x1xf32> to vector<64x1xf32>
    %add3A_77 = arith.addf %broadcast_in_dim3A_74, %add3A_76 : vector<64x1xf32>
    %slice3A_78 = vector.extract_strided_slice %add3A {offsets = [1, 0], sizes = [1, 10240], strides = [1, 1]} : vector<3x10240xf32> to vector<1x10240xf32>
    %squeeze3A_79 = vector.shape_cast %slice3A_78 : vector<1x10240xf32> to vector<10240xf32>
    %slice3A_80 = vector.extract_strided_slice %get3A_12 {offsets = [1, 0], sizes = [1, 10240], strides = [1, 1]} : vector<3x10240xf32> to vector<1x10240xf32>
    %squeeze3A_81 = vector.shape_cast %slice3A_80 : vector<1x10240xf32> to vector<10240xf32>
    %add3A_82 = arith.addf %squeeze3A_79, %squeeze3A_81 : vector<10240xf32>
    %broadcast_in_dim3A_83 = vector.shape_cast %add3A_82 : vector<10240xf32> to vector<1x10240xf32>
    %add3A_84 = vector.broadcast %get3A_15 : vector<1x1xf32> to vector<1x10240xf32>
    %add3A_85 = arith.addf %broadcast_in_dim3A_83, %add3A_84 : vector<1x10240xf32>
    %jit3A_86 = arith.constant -1.000000e+30 : f32
    %broadcast_in_dim3A_87 = vector.shape_cast %add3A_85 : vector<1x10240xf32> to vector<1x10240xf32>
    %broadcast_in_dim3A_88 = vector.broadcast %broadcast_in_dim3A_87 : vector<1x10240xf32> to vector<64x10240xf32>
    %broadcast_in_dim3A_89 = vector.broadcast %jit3A_86 : f32 to vector<64x10240xf32>
    %select_n3A_90 = arith.select %eq3A_2, %broadcast_in_dim3A_88, %broadcast_in_dim3A_89 : vector<64x10240xi1>, vector<64x10240xf32>
    %reduce_max3A_91 = arith.constant dense<0xFF800000> : vector<64xf32>
    %reduce_max3A_92 = vector.multi_reduction <maximumf>, %select_n3A_90, %reduce_max3A_91 [1] : vector<64x10240xf32> to vector<64xf32>
    %broadcast_in_dim3A_93 = vector.shape_cast %reduce_max3A_92 : vector<64xf32> to vector<64x1xf32>
    %jit3A_94 = arith.constant -1.000000e+30 : f32
    %broadcast_in_dim3A_95 = vector.shape_cast %broadcast_in_dim3A_93 : vector<64x1xf32> to vector<64x1xf32>
    %broadcast_in_dim3A_96 = vector.broadcast %broadcast_in_dim3A_95 : vector<64x1xf32> to vector<64x10240xf32>
    %broadcast_in_dim3A_97 = vector.broadcast %jit3A_94 : f32 to vector<64x10240xf32>
    %select_n3A_98 = arith.select %eq3A_2, %broadcast_in_dim3A_96, %broadcast_in_dim3A_97 : vector<64x10240xi1>, vector<64x10240xf32>
    %reduce_max3A_99 = arith.constant dense<0xFF800000> : vector<10240xf32>
    %reduce_max3A_100 = vector.multi_reduction <maximumf>, %select_n3A_98, %reduce_max3A_99 [0] : vector<64x10240xf32> to vector<10240xf32>
    %broadcast_in_dim3A_101 = vector.shape_cast %reduce_max3A_100 : vector<10240xf32> to vector<1x10240xf32>
    %sub3A_102 = arith.subf %add3A_85, %broadcast_in_dim3A_101 : vector<1x10240xf32>
    %min3A_103 = arith.constant 0.000000e+00 : f32
    %min3A_104 = vector.broadcast %min3A_103 : f32 to vector<1x10240xf32>
    %min3A_105 = arith.minimumf %sub3A_102, %min3A_104 : vector<1x10240xf32>
    %exp3A_106 = math.exp %min3A_105 : vector<1x10240xf32>
    %mul3A_107 = vector.broadcast %exp3A_106 : vector<1x10240xf32> to vector<64x10240xf32>
    %mul3A_108 = arith.mulf %convert_element_type3A_3, %mul3A_107 : vector<64x10240xf32>
    %reduce_sum3A_109 = arith.constant dense<0.000000e+00> : vector<64xf32>
    %reduce_sum3A_110 = vector.multi_reduction <add>, %mul3A_108, %reduce_sum3A_109 [1] : vector<64x10240xf32> to vector<64xf32>
    %broadcast_in_dim3A_111 = vector.shape_cast %reduce_sum3A_110 : vector<64xf32> to vector<64x1xf32>
    %add3A_112 = arith.constant 1.000000e-16 : f32
    %add3A_113 = vector.broadcast %add3A_112 : f32 to vector<64x1xf32>
    %add3A_114 = arith.addf %broadcast_in_dim3A_111, %add3A_113 : vector<64x1xf32>
    %div3A_115 = vector.broadcast %add3A_114 : vector<64x1xf32> to vector<64x10240xf32>
    %div3A_116 = arith.divf %mul3A_108, %div3A_115 : vector<64x10240xf32>
    %get3A_117 = arith.constant 1 : index
    %get3A_118 = arith.constant 0 : index
    %get3A_119 = arith.constant 0 : index
    %get3A_120 = vector.load %arg0[%get3A_117, %get3A_118, %get3A_119] : memref<3x10240x128xf32, #tpu.memory_space<vmem>>, vector<1x10240x128xf32>
    %get3A_121 = vector.shape_cast %get3A_120 : vector<1x10240x128xf32> to vector<10240x128xf32>
    %dot_general3A_122 = arith.constant dense<0.000000e+00> : vector<64x128xf32>
    %dot_general3A_123 = tpu.matmul %div3A_116, %get3A_121, %dot_general3A_122 {dimension_numbers = #tpu.dot_dimension_numbers<[1], [0], [0], [1], [0, 0, 1, 1], [], []>, precision = #tpu.contract_precision<fp32>, transpose_lhs_hint = false} : vector<64x10240xf32>, vector<10240x128xf32>, vector<64x128xf32> -> vector<64x128xf32>
    %dot_general3A_124 = arith.constant dense<0.000000e+00> : vector<64x128xf32>
    %dot_general3A_125 = tpu.matmul %dot_general3A_123, %get3A_18, %dot_general3A_124 {dimension_numbers = #tpu.dot_dimension_numbers<[1], [0], [0], [1], [0, 0, 1, 1], [], []>, precision = #tpu.contract_precision<fp32>, transpose_lhs_hint = false} : vector<64x128xf32>, vector<128x128xf32>, vector<64x128xf32> -> vector<64x128xf32>
    %add3A_126 = vector.broadcast %get3A_21 : vector<1x128xf32> to vector<64x128xf32>
    %add3A_127 = arith.addf %dot_general3A_125, %add3A_126 : vector<64x128xf32>
    %tanh3A_128 = math.tanh %add3A_127 : vector<64x128xf32>
    %slice3A_129 = vector.extract_strided_slice %get3A_24 {offsets = [0, 1], sizes = [128, 1], strides = [1, 1]} : vector<128x3xf32> to vector<128x1xf32>
    %squeeze3A_130 = vector.shape_cast %slice3A_129 : vector<128x1xf32> to vector<128xf32>
    %broadcast_in_dim3A_131 = vector.shape_cast %squeeze3A_130 : vector<128xf32> to vector<1x128xf32>
    %mul3A_132 = vector.broadcast %broadcast_in_dim3A_131 : vector<1x128xf32> to vector<64x128xf32>
    %mul3A_133 = arith.mulf %tanh3A_128, %mul3A_132 : vector<64x128xf32>
    %reduce_sum3A_134 = arith.constant dense<0.000000e+00> : vector<64xf32>
    %reduce_sum3A_135 = vector.multi_reduction <add>, %mul3A_133, %reduce_sum3A_134 [1] : vector<64x128xf32> to vector<64xf32>
    %broadcast_in_dim3A_136 = vector.shape_cast %reduce_sum3A_135 : vector<64xf32> to vector<64x1xf32>
    %slice3A_137 = vector.extract_strided_slice %get3A_27 {offsets = [0, 1], sizes = [1, 1], strides = [1, 1]} : vector<1x3xf32> to vector<1x1xf32>
    %add3A_138 = vector.broadcast %slice3A_137 : vector<1x1xf32> to vector<64x1xf32>
    %add3A_139 = arith.addf %broadcast_in_dim3A_136, %add3A_138 : vector<64x1xf32>
    %slice3A_140 = vector.extract_strided_slice %add3A {offsets = [2, 0], sizes = [1, 10240], strides = [1, 1]} : vector<3x10240xf32> to vector<1x10240xf32>
    %squeeze3A_141 = vector.shape_cast %slice3A_140 : vector<1x10240xf32> to vector<10240xf32>
    %slice3A_142 = vector.extract_strided_slice %get3A_12 {offsets = [2, 0], sizes = [1, 10240], strides = [1, 1]} : vector<3x10240xf32> to vector<1x10240xf32>
    %squeeze3A_143 = vector.shape_cast %slice3A_142 : vector<1x10240xf32> to vector<10240xf32>
    %add3A_144 = arith.addf %squeeze3A_141, %squeeze3A_143 : vector<10240xf32>
    %broadcast_in_dim3A_145 = vector.shape_cast %add3A_144 : vector<10240xf32> to vector<1x10240xf32>
    %add3A_146 = vector.broadcast %get3A_15 : vector<1x1xf32> to vector<1x10240xf32>
    %add3A_147 = arith.addf %broadcast_in_dim3A_145, %add3A_146 : vector<1x10240xf32>
    %jit3A_148 = arith.constant -1.000000e+30 : f32
    %broadcast_in_dim3A_149 = vector.shape_cast %add3A_147 : vector<1x10240xf32> to vector<1x10240xf32>
    %broadcast_in_dim3A_150 = vector.broadcast %broadcast_in_dim3A_149 : vector<1x10240xf32> to vector<64x10240xf32>
    %broadcast_in_dim3A_151 = vector.broadcast %jit3A_148 : f32 to vector<64x10240xf32>
    %select_n3A_152 = arith.select %eq3A_2, %broadcast_in_dim3A_150, %broadcast_in_dim3A_151 : vector<64x10240xi1>, vector<64x10240xf32>
    %reduce_max3A_153 = arith.constant dense<0xFF800000> : vector<64xf32>
    %reduce_max3A_154 = vector.multi_reduction <maximumf>, %select_n3A_152, %reduce_max3A_153 [1] : vector<64x10240xf32> to vector<64xf32>
    %broadcast_in_dim3A_155 = vector.shape_cast %reduce_max3A_154 : vector<64xf32> to vector<64x1xf32>
    %jit3A_156 = arith.constant -1.000000e+30 : f32
    %broadcast_in_dim3A_157 = vector.shape_cast %broadcast_in_dim3A_155 : vector<64x1xf32> to vector<64x1xf32>
    %broadcast_in_dim3A_158 = vector.broadcast %broadcast_in_dim3A_157 : vector<64x1xf32> to vector<64x10240xf32>
    %broadcast_in_dim3A_159 = vector.broadcast %jit3A_156 : f32 to vector<64x10240xf32>
    %select_n3A_160 = arith.select %eq3A_2, %broadcast_in_dim3A_158, %broadcast_in_dim3A_159 : vector<64x10240xi1>, vector<64x10240xf32>
    %reduce_max3A_161 = arith.constant dense<0xFF800000> : vector<10240xf32>
    %reduce_max3A_162 = vector.multi_reduction <maximumf>, %select_n3A_160, %reduce_max3A_161 [0] : vector<64x10240xf32> to vector<10240xf32>
    %broadcast_in_dim3A_163 = vector.shape_cast %reduce_max3A_162 : vector<10240xf32> to vector<1x10240xf32>
    %sub3A_164 = arith.subf %add3A_147, %broadcast_in_dim3A_163 : vector<1x10240xf32>
    %min3A_165 = arith.constant 0.000000e+00 : f32
    %min3A_166 = vector.broadcast %min3A_165 : f32 to vector<1x10240xf32>
    %min3A_167 = arith.minimumf %sub3A_164, %min3A_166 : vector<1x10240xf32>
    %exp3A_168 = math.exp %min3A_167 : vector<1x10240xf32>
    %mul3A_169 = vector.broadcast %exp3A_168 : vector<1x10240xf32> to vector<64x10240xf32>
    %mul3A_170 = arith.mulf %convert_element_type3A_3, %mul3A_169 : vector<64x10240xf32>
    %reduce_sum3A_171 = arith.constant dense<0.000000e+00> : vector<64xf32>
    %reduce_sum3A_172 = vector.multi_reduction <add>, %mul3A_170, %reduce_sum3A_171 [1] : vector<64x10240xf32> to vector<64xf32>
    %broadcast_in_dim3A_173 = vector.shape_cast %reduce_sum3A_172 : vector<64xf32> to vector<64x1xf32>
    %add3A_174 = arith.constant 1.000000e-16 : f32
    %add3A_175 = vector.broadcast %add3A_174 : f32 to vector<64x1xf32>
    %add3A_176 = arith.addf %broadcast_in_dim3A_173, %add3A_175 : vector<64x1xf32>
    %div3A_177 = vector.broadcast %add3A_176 : vector<64x1xf32> to vector<64x10240xf32>
    %div3A_178 = arith.divf %mul3A_170, %div3A_177 : vector<64x10240xf32>
    %get3A_179 = arith.constant 2 : index
    %get3A_180 = arith.constant 0 : index
    %get3A_181 = arith.constant 0 : index
    %get3A_182 = vector.load %arg0[%get3A_179, %get3A_180, %get3A_181] : memref<3x10240x128xf32, #tpu.memory_space<vmem>>, vector<1x10240x128xf32>
    %get3A_183 = vector.shape_cast %get3A_182 : vector<1x10240x128xf32> to vector<10240x128xf32>
    %dot_general3A_184 = arith.constant dense<0.000000e+00> : vector<64x128xf32>
    %dot_general3A_185 = tpu.matmul %div3A_178, %get3A_183, %dot_general3A_184 {dimension_numbers = #tpu.dot_dimension_numbers<[1], [0], [0], [1], [0, 0, 1, 1], [], []>, precision = #tpu.contract_precision<fp32>, transpose_lhs_hint = false} : vector<64x10240xf32>, vector<10240x128xf32>, vector<64x128xf32> -> vector<64x128xf32>
    %dot_general3A_186 = arith.constant dense<0.000000e+00> : vector<64x128xf32>
    %dot_general3A_187 = tpu.matmul %dot_general3A_185, %get3A_18, %dot_general3A_186 {dimension_numbers = #tpu.dot_dimension_numbers<[1], [0], [0], [1], [0, 0, 1, 1], [], []>, precision = #tpu.contract_precision<fp32>, transpose_lhs_hint = false} : vector<64x128xf32>, vector<128x128xf32>, vector<64x128xf32> -> vector<64x128xf32>
    %add3A_188 = vector.broadcast %get3A_21 : vector<1x128xf32> to vector<64x128xf32>
    %add3A_189 = arith.addf %dot_general3A_187, %add3A_188 : vector<64x128xf32>
    %tanh3A_190 = math.tanh %add3A_189 : vector<64x128xf32>
    %slice3A_191 = vector.extract_strided_slice %get3A_24 {offsets = [0, 2], sizes = [128, 1], strides = [1, 1]} : vector<128x3xf32> to vector<128x1xf32>
    %squeeze3A_192 = vector.shape_cast %slice3A_191 : vector<128x1xf32> to vector<128xf32>
    %broadcast_in_dim3A_193 = vector.shape_cast %squeeze3A_192 : vector<128xf32> to vector<1x128xf32>
    %mul3A_194 = vector.broadcast %broadcast_in_dim3A_193 : vector<1x128xf32> to vector<64x128xf32>
    %mul3A_195 = arith.mulf %tanh3A_190, %mul3A_194 : vector<64x128xf32>
    %reduce_sum3A_196 = arith.constant dense<0.000000e+00> : vector<64xf32>
    %reduce_sum3A_197 = vector.multi_reduction <add>, %mul3A_195, %reduce_sum3A_196 [1] : vector<64x128xf32> to vector<64xf32>
    %broadcast_in_dim3A_198 = vector.shape_cast %reduce_sum3A_197 : vector<64xf32> to vector<64x1xf32>
    %slice3A_199 = vector.extract_strided_slice %get3A_27 {offsets = [0, 2], sizes = [1, 1], strides = [1, 1]} : vector<1x3xf32> to vector<1x1xf32>
    %add3A_200 = vector.broadcast %slice3A_199 : vector<1x1xf32> to vector<64x1xf32>
    %add3A_201 = arith.addf %broadcast_in_dim3A_198, %add3A_200 : vector<64x1xf32>
    %concatenate3A = tpu.concatenate %add3A_77, %add3A_139, %add3A_201 in 1 : vector<64x1xf32>, vector<64x1xf32>, vector<64x1xf32> -> vector<64x3xf32>
    %reduce_max3A_202 = arith.constant dense<0xFF800000> : vector<64xf32>
    %reduce_max3A_203 = vector.multi_reduction <maximumf>, %concatenate3A, %reduce_max3A_202 [1] : vector<64x3xf32> to vector<64xf32>
    %broadcast_in_dim3A_204 = vector.shape_cast %reduce_max3A_203 : vector<64xf32> to vector<64x1xf32>
    %sub3A_205 = vector.broadcast %broadcast_in_dim3A_204 : vector<64x1xf32> to vector<64x3xf32>
    %sub3A_206 = arith.subf %concatenate3A, %sub3A_205 : vector<64x3xf32>
    %exp3A_207 = math.exp %sub3A_206 : vector<64x3xf32>
    %reduce_sum3A_208 = arith.constant dense<0.000000e+00> : vector<64xf32>
    %reduce_sum3A_209 = vector.multi_reduction <add>, %exp3A_207, %reduce_sum3A_208 [1] : vector<64x3xf32> to vector<64xf32>
    %broadcast_in_dim3A_210 = vector.shape_cast %reduce_sum3A_209 : vector<64xf32> to vector<64x1xf32>
    %div3A_211 = vector.broadcast %broadcast_in_dim3A_210 : vector<64x1xf32> to vector<64x3xf32>
    %div3A_212 = arith.divf %exp3A_207, %div3A_211 : vector<64x3xf32>
    %dot_general3A_213 = arith.constant dense<0.000000e+00> : vector<10240x3xf32>
    %dot_general3A_214 = tpu.matmul %convert_element_type3A_3, %div3A_212, %dot_general3A_213 {dimension_numbers = #tpu.dot_dimension_numbers<[0], [0], [1], [1], [0, 1, 1, 1], [], []>, precision = #tpu.contract_precision<fp32>, transpose_lhs_hint = false} : vector<64x10240xf32>, vector<64x3xf32>, vector<10240x3xf32> -> vector<10240x3xf32>
    %get3A_215 = arith.constant 0 : index
    %get3A_216 = arith.constant 0 : index
    %get3A_217 = arith.constant 0 : index
    %get3A_218 = vector.load %arg0[%get3A_215, %get3A_216, %get3A_217] : memref<3x10240x128xf32, #tpu.memory_space<vmem>>, vector<1x10240x128xf32>
    %get3A_219 = vector.shape_cast %get3A_218 : vector<1x10240x128xf32> to vector<10240x128xf32>
    %slice3A_220 = vector.extract_strided_slice %dot_general3A_214 {offsets = [0, 0], sizes = [10240, 1], strides = [1, 1]} : vector<10240x3xf32> to vector<10240x1xf32>
    %squeeze3A_221 = vector.shape_cast %slice3A_220 : vector<10240x1xf32> to vector<10240xf32>
    %broadcast_in_dim3A_222 = vector.shape_cast %squeeze3A_221 : vector<10240xf32> to vector<10240x1xf32>
    %mul3A_223 = vector.broadcast %broadcast_in_dim3A_222 : vector<10240x1xf32> to vector<10240x128xf32>
    %mul3A_224 = arith.mulf %get3A_219, %mul3A_223 : vector<10240x128xf32>
    %get3A_225 = arith.constant 1 : index
    %get3A_226 = arith.constant 0 : index
    %get3A_227 = arith.constant 0 : index
    %get3A_228 = vector.load %arg0[%get3A_225, %get3A_226, %get3A_227] : memref<3x10240x128xf32, #tpu.memory_space<vmem>>, vector<1x10240x128xf32>
    %get3A_229 = vector.shape_cast %get3A_228 : vector<1x10240x128xf32> to vector<10240x128xf32>
    %slice3A_230 = vector.extract_strided_slice %dot_general3A_214 {offsets = [0, 1], sizes = [10240, 1], strides = [1, 1]} : vector<10240x3xf32> to vector<10240x1xf32>
    %squeeze3A_231 = vector.shape_cast %slice3A_230 : vector<10240x1xf32> to vector<10240xf32>
    %broadcast_in_dim3A_232 = vector.shape_cast %squeeze3A_231 : vector<10240xf32> to vector<10240x1xf32>
    %mul3A_233 = vector.broadcast %broadcast_in_dim3A_232 : vector<10240x1xf32> to vector<10240x128xf32>
    %mul3A_234 = arith.mulf %get3A_229, %mul3A_233 : vector<10240x128xf32>
    %add3A_235 = arith.addf %mul3A_224, %mul3A_234 : vector<10240x128xf32>
    %get3A_236 = arith.constant 2 : index
    %get3A_237 = arith.constant 0 : index
    %get3A_238 = arith.constant 0 : index
    %get3A_239 = vector.load %arg0[%get3A_236, %get3A_237, %get3A_238] : memref<3x10240x128xf32, #tpu.memory_space<vmem>>, vector<1x10240x128xf32>
    %get3A_240 = vector.shape_cast %get3A_239 : vector<1x10240x128xf32> to vector<10240x128xf32>
    %slice3A_241 = vector.extract_strided_slice %dot_general3A_214 {offsets = [0, 2], sizes = [10240, 1], strides = [1, 1]} : vector<10240x3xf32> to vector<10240x1xf32>
    %squeeze3A_242 = vector.shape_cast %slice3A_241 : vector<10240x1xf32> to vector<10240xf32>
    %broadcast_in_dim3A_243 = vector.shape_cast %squeeze3A_242 : vector<10240xf32> to vector<10240x1xf32>
    %mul3A_244 = vector.broadcast %broadcast_in_dim3A_243 : vector<10240x1xf32> to vector<10240x128xf32>
    %mul3A_245 = arith.mulf %get3A_240, %mul3A_244 : vector<10240x128xf32>
    %add3A_246 = arith.addf %add3A_235, %mul3A_245 : vector<10240x128xf32>
    %slice3A_247 = vector.extract_strided_slice %add3A_246 {offsets = [0, 0], sizes = [10000, 128], strides = [1, 1]} : vector<10240x128xf32> to vector<10000x128xf32>
    %swap3A = arith.constant 0 : index
    %swap3A_248 = arith.constant 0 : index
    %swap3A_249 = vector.load %arg9[%swap3A, %swap3A_248] : memref<10000x128xf32, #tpu.memory_space<vmem>>, vector<10000x128xf32>
    tpu.vector_store %arg9[%swap3A, %swap3A_248], %slice3A_247 {strides = array<i32>} : memref<10000x128xf32, #tpu.memory_space<vmem>>, vector<10000x128xf32>,
    return
  }
}

</mosaic_0001>

<sc_bundles>
// kernel: kernel.11.cloned.1.call-start
scs
__scs_entry_jumppad:
0x0: {  	(pc) =	sbr.rel $0x88, $3  }
0x1: {  	(tag) =	ssettag $0x0;
	lr =	simm.s32 $0x1  }
0x2: {  	[smem:$0x3F95] =	sst lr;
	_ =	strace $0xD0000000  }
0x3: {  	_ = 	snop  }
0x4: {  	_ = 	snop  }
0x5: {  	_ = 	snop  }
0x6: {  	_ = 	snop  }
0x7: {  	_ = 	snop  }
__scs_overlays_trampoline_lowered:
0x8: {  	[smem:$0x3FA4] =	sst s0  }
0x9: {  	[smem:$0x3FA5] =	sst s1  }
0xa: {  	[smem:$0x3FA6] =	sst s2  }
0xb: {  	[smem:$0x3FA7] =	sst s3  }
0xc: {  	[smem:$0x3FA8] =	sst s4  }
0xd: {  	[smem:$0x3FA9] =	sst s5  }
0xe: {  	[smem:$0x3FAA] =	sst s6  }
0xf: {  	[smem:$0x3FAB] =	sst s7  }
0x10: {  	[smem:$0x3FAC] =	sst s8  }
0x11: {  	[smem:$0x3FAD] =	sst s9;
	s0 =	simm.s32 @!p0 $0x0  }
0x12: {  	s1 =	sld [smem:$0x3F93];
	s0 =	simm.s32 @p0 $0x1  }
0x13: {  	[smem:$0x3FAE] =	sst s0;
	s0 =	simm.s32 @!p1 $0x0  }
0x14: {  	s2 =	sld [smem:$0x3F92];
	s0 =	simm.s32 @p1 $0x1  }
0x15: {  	[smem:$0x3FAF] =	sst s0;
	s0 =	simm.s32 @!p2 $0x0  }
0x16: {  	s3 =	sld [smem:$0x3FDB];
	s0 =	simm.s32 @p2 $0x1  }
0x17: {  	s4 =	simm.s32 $0x1BF5;
	[smem:$0x3FB1] =	sst s0  }
0x18: {  	s0 =	sld [smem:$0x3F94];
	_ =	swait.ge [sflag:s4], $0x0  }
0x19: {  	s7 =	sld [smem:$0x3F95]  }
0x1a: {  	s8 =	sadd.s32 $0xFFFFE003, lr  }
0x1b: {  	s9 =	sadd.s32 $0xFFFFFEF7, lr;
	s5 =	simm.s32 $0xFFFFFFFF;
	p2 =	slt.u32 s8, $0xFFFFF086  }
0x1c: {  	p1 =	slt.u32 s9, $0xF7A;
	s5 =	simm.s32 @!p2 $0x0  }
0x1d: {  	s5 =	simm.s32 @p1 $0x1;
	p0 =	seq.s32 s7, s2  }
0x1e: {  	s7 =	smul.u32 @!p0 $0xF7A, s2;
	p2 =	seq.s32 @!p0 s5, $0x0  }
0x1f: {  	s9 =	smul.u32 $0xF7A, s1;
	s8 =	simm.s32 @!p0 $0x1BF5;
	p2 =	por !p2, p0  }
0x20: {  	[sflag:s8] =	ssyncset.s32 @!p0 $0xFFFFF086;
	s6 =	sadd.s32 @!p0 s3, s7;
	s7 =	simm.s32 @!p0 $0x108  }
0x21: {  	s3 =	sadd.s32 s3, s9;
	s6 =	sadd.s32 @!p0 $0x88, s6;
	s7 =	simm.s32 @p2 $0x1082  }
0x22: {  	[simem:s7], [sflag:s8] =	dma.local @!p0 [hbm:s6], $0xF7A  }
0x23: {  	s9 =	sor.u32 $0xD0000000, s2;
	s6 =	simm.s32 $0x108;
	_ =	swait.ge @!p0 [sflag:s8], $0x0  }
0x24: {  	s3 =	sadd.s32 $0x88, s3;
	s6 =	simm.s32 @!p1 $0x1082;
	[sflag:s4] =	ssyncset.s32 $0xFFFFF086  }
0x25: {  	[simem:s6], [sflag:s4] =	dma.local [hbm:s3], $0xF7A  }
0x26: {  	[smem:$0x3F95] =	sst s1;
	(tag) =	ssettag s2;
	_ =	strace s9  }
0x27: {  	s1 =	sld [smem:$0x3FA5]  }
0x28: {  	s2 =	sld [smem:$0x3FA6]  }
0x29: {  	s4 =	sld [smem:$0x3FA8]  }
0x2a: {  	p0 =	seq.s32 s5, $0x0;
	s5 =	sld [smem:$0x3FA9]  }
0x2b: {  	s6 =	sld [smem:$0x3FAA]  }
0x2c: {  	s7 =	sld [smem:$0x3FAB]  }
0x2d: {  	s3 =	simm.s32 $0x108;
	s8 =	sld [smem:$0x3FAC]  }
0x2e: {  	s3 =	simm.s32 @!p0 $0x1082;
	s9 =	sld [smem:$0x3FAD]  }
0x2f: {  	lr =	sadd.s32 s0, s3;
	s0 =	sld [smem:$0x3FA4]  }
0x30: {  	s3 =	sld [smem:$0x3FA7]  }
0x31: {  	[smem:$0x3FB0] =	sst s10  }
0x32: {  	s10 =	sld [smem:$0x3FAE];
	_ =	sdelay $0x3  }
0x33: {  	p0 =	seq.s32 s10, $0x1;
	s10 =	sld [smem:$0x3FB0];
	_ =	sdelay $0x3  }
0x34: {  	[smem:$0x3FB0] =	sst s10  }
0x35: {  	s10 =	sld [smem:$0x3FAF];
	_ =	sdelay $0x3  }
0x36: {  	p1 =	seq.s32 s10, $0x1;
	s10 =	sld [smem:$0x3FB0];
	_ =	sdelay $0x3  }
0x37: {  	[smem:$0x3FB0] =	sst s10  }
0x38: {  	s10 =	sld [smem:$0x3FB1]  }
0x39: {  	_ = 	snop;
	(pc) =	sbr.ind lr, $3  }
0x3a: {  	_ = 	snop  }
0x3b: {  	_ = 	snop  }
0x3c: {  	p2 =	seq.s32 s10, $0x1;
	s10 =	sld [smem:$0x3FB0]  }
0x3d: {  	_ =	shalt  }
0x3e: {  	_ =	shalt  }
0x3f: {  	_ =	shalt  }
0x40: {  	_ =	shalt  }
0x41: {  	_ =	shalt  }
0x42: {  	_ =	shalt  }
0x43: {  	_ =	shalt  }
0x44: {  	_ =	shalt  }
0x45: {  	_ =	shalt  }
0x46: {  	_ =	shalt  }
0x47: {  	_ =	shalt  }
0x48: {  	_ =	shalt  }
0x49: {  	_ =	shalt  }
0x4a: {  	_ =	shalt  }
0x4b: {  	_ =	shalt  }
0x4c: {  	_ =	shalt  }
0x4d: {  	_ =	shalt  }
0x4e: {  	_ =	shalt  }
0x4f: {  	_ =	shalt  }
0x50: {  	_ =	shalt  }
0x51: {  	_ =	shalt  }
0x52: {  	_ =	shalt  }
0x53: {  	_ =	shalt  }
0x54: {  	_ =	shalt  }
0x55: {  	_ =	shalt  }
0x56: {  	_ =	shalt  }
0x57: {  	_ =	shalt  }
0x58: {  	_ =	shalt  }
0x59: {  	_ =	shalt  }
0x5a: {  	_ =	shalt  }
0x5b: {  	_ =	shalt  }
0x5c: {  	_ =	shalt  }
0x5d: {  	_ =	shalt  }
0x5e: {  	_ =	shalt  }
0x5f: {  	_ =	shalt  }
0x60: {  	_ =	shalt  }
0x61: {  	_ =	shalt  }
0x62: {  	_ =	shalt  }
0x63: {  	_ =	shalt  }
0x64: {  	_ =	shalt  }
0x65: {  	_ =	shalt  }
0x66: {  	_ =	shalt  }
0x67: {  	_ =	shalt  }
0x68: {  	_ =	shalt  }
0x69: {  	_ =	shalt  }
0x6a: {  	_ =	shalt  }
0x6b: {  	_ =	shalt  }
0x6c: {  	_ =	shalt  }
0x6d: {  	_ =	shalt  }
0x6e: {  	_ =	shalt  }
0x6f: {  	_ =	shalt  }
0x70: {  	_ =	shalt  }
0x71: {  	_ =	shalt  }
0x72: {  	_ =	shalt  }
0x73: {  	_ =	shalt  }
0x74: {  	_ =	shalt  }
0x75: {  	_ =	shalt  }
0x76: {  	_ =	shalt  }
0x77: {  	_ =	shalt  }
0x78: {  	_ =	shalt  }
0x79: {  	_ =	shalt  }
0x7a: {  	_ =	shalt  }
0x7b: {  	_ =	shalt  }
0x7c: {  	_ =	shalt  }
0x7d: {  	_ =	shalt  }
0x7e: {  	_ =	shalt  }
0x7f: {  	_ =	shalt  }
0x80: {  	_ =	shalt  }
0x81: {  	_ =	shalt  }
0x82: {  	_ =	shalt  }
0x83: {  	_ =	shalt  }
0x84: {  	_ =	shalt  }
0x85: {  	_ =	shalt  }
0x86: {  	_ =	shalt  }
0x87: {  	_ =	shalt  }
.Lfunc_end0:
.L_simem_size_0:
called_computation.1_lowered:
.L_overlay_start_0:
0x88: {  	s2 =	sld [smem:$0x3FD9]  }
0x89: {  	s3 =	sld [smem:$0x3FFE];
	_ =	sdelay $0x1  }
0x8a: {  	s1 =	srdreg.scid  }
0x8b: {  	s0 =	sand.u32 $0x1, s1  }
0x8c: {  	s17 =	sshll.u32 s0, $0xA;
	s2 =	sadd.s32 s3, s2  }
0x8d: {  	s2 =	sadd.s32 s2, s17  }
0x8e: {  	[smem:$0x3FBC] =	sst s2  }
0x8f: {  	_ = 	snop  }
0x90: {  	s2 =	sld [smem:$0x3FD0];
	(tm) =	ssettm $0x1  }
0x91: {  	s18 =	sld [smem:$0x3FFB];
	_ =	sdelay $0x3  }
0x92: {  	_ =	strace s18  }
0x93: {  	s3 =	sld [smem:$0x3FFC];
	_ =	sdelay $0x3  }
0x94: {  	_ =	strace s3  }
0x95: {  	s3 =	sld [smem:$0x3FFD];
	_ =	sdelay $0x3  }
0x96: {  	_ =	strace s3  }
0x97: {  	_ =	strace $0x8FFFFFFF  }
0x98: {  	s19 =	sld [smem:$0x3FDB];
	_ =	sdelay $0x1  }
0x99: {  	s4 =	simm.s32 $_scs_section_size  }
0x9a: {  	s5 =	simm.s32 $_size__tile_overlayer_lowered;
	s6 =	simm.s32 $_tile_overlayer_lowered  }
0x9b: {  	s22 =	simm.s32 $0x1BFF;
	s21 =	sshll.u32 s6, $0x1;
	s3 =	sadd.s32 s4, s19  }
0x9c: {  	s7 =	simm.s32 $0x0;
	s20 =	sshll.u32 s5, $0x1;
	s5 =	sadd.s32 s21, s3  }
0x9d: {  	[timem:s7], [sflag:s22] =	dma.local [hbm:s5], s20  }
0x9e: {  	_ =	swait.ge [sflag:s22], s20  }
0x9f: {  	s4 =	ssub.s32 $0x0, s20;
	[sflag:s22] =	ssyncset.done $0x0  }
0xa0: {  	[sflag:s22] =	ssyncadd.s32 s4;
	_ =	sdelay $0x1  }
0xa1: {  	s23 =	simm.s32 $0x1B8B  }
0xa2: {  	_ =	swait.ge [sflag:s23], $0x1  }
0xa3: {  	[sflag:s23] =	ssyncset.done $0x0  }
0xa4: {  	s25 =	simm.s32 $0x1B8E;
	s24 =	sld [smem:$0x3FFE];
	[sflag:s23] =	ssyncadd.s32 $0xFFFFFFFF  }
0xa5: {  	s26 =	simm.s32 $execute0_lowered;
	[smem:$0x3FD2] =	sst s25  }
0xa6: {  	s5 =	sshll.u32 s26, $0x1;
	_ =	strace $0x80000049;
	[dreg:$0x1] =	wrdreg $0xFFFFFFFF  }
0xa7: {  	s28 =	simm.s32 $_size_execute0_lowered;
	s3 =	sadd.s32 s3, s5;
	[dreg:$0x0] =	wrdreg $0x0  }
0xa8: {  	s5 =	sshll.u32 s28, $0x1;
	[dreg:$0x2] =	wrdreg s3  }
0xa9: {  	[dreg:$0x3] =	wrdreg s5  }
0xaa: {  	[dreg:$0x4] =	wrdreg $0xC0  }
0xab: {  	_ =	task [dreg:s7], $0x5FFFF  }
0xac: {  	[dreg:$0x1] =	wrdreg $0xFFFFFFFF  }
0xad: {  	[dreg:$0x0] =	wrdreg $0x60  }
0xae: {  	[dreg:$0x2] =	wrdreg s2  }
0xaf: {  	[dreg:$0x3] =	wrdreg s24  }
0xb0: {  	[dreg:$0x4] =	wrdreg $0xA8000  }
0xb1: {  	[dreg:$0x5] =	wrdreg $0x9  }
0xb2: {  	_ =	task.clear_ibuf [dreg:s7], $0x6FFFF;
	_ =	strace $0x90000049  }
0xb3: {  	s29 =	simm.s32 $0x9;
	_ =	strace $0x8000004B  }
0xb4: {  	_ =	swait.ge [sflag:s29], $0x1  }
0xb5: {  	[sflag:s29] =	ssyncadd.s32 $0xFFFFFFFF  }
0xb6: {  	_ =	strace $0x9000004B  }
0xb7: {  	_ =	sfence  }
0xb8: {  	s30 =	sld [smem:$0x0];
	_ =	sdelay $0x2  }
0xb9: {  	s31 =	sshll.u32 s1, $0xD;
	s1 =	sshrl.u32 s1, $0x2  }
0xba: {  	s3 =	sand.u32 $0x4000, s31;
	s1 =	sadd.s32 s1, s30  }
0xbb: {  	s0 =	sor.u32 s3, s0;
	s1 =	sshll.u32 s1, $0x11  }
0xbc: {  	s0 =	sor.u32 s1, s0  }
0xbd: {  	s0 =	sadd.s32 $0x8F2B, s0  }
0xbe: {  	[sflag:s0] =	ssyncadd.remote.s32 $0x1  }
0xbf: {  	_ =	sfence.sel $0xFFFF  }
0xc0: {  	[dreg:$0x0] =	wrdreg $0xFFFFFFFF;
	(pc) =	sbr.abs _section_cstart, $3  }
0xc1: {  	[dreg:$0x1] =	wrdreg $0xFFFFFFFF  }
0xc2: {  	_ =	task.clear_ibuf [dreg:s7], $0x2FFFF;
	_ =	strace $0x9FFFFFFF  }
0xc3: {  	(tm) =	ssettm $0x7FFFFFFF  }
tec
execute0_lowered:
.L_overlay_start_1:
0x0: {  	(tag) =	ssettag $0x1  }
0x1: {  	s0 =	rddreg [dreg:$0x1]  }
0x2: {  	s3 =	rddreg [dreg:$0x2];
	s4 =	stileid.u32  }
0x3: {  	s2 =	srdreg.scid;
	s7 =	smul.u32 $0x280, s4  }
0x4: {  	s29 =	simm.s32 $0x0;
	s2 =	sand.u32 $0x1, s2;
	s11 =	smul.u32 $0x50000, s4  }
0x5: {  	[smem:$0x7FF] =	sst s29;
	s10 =	sadd.s32 $0x16A00, s0;
	s8 =	smul.u32 $0x2800, s2  }
0x6: {  	s9 =	sshll.u32 s4, $0x1;
	s4 =	simm.s32 $0x0;
	_ =	strace $0x8000004A  }
0x7: {  	[dreg:$0x4] =	wrdreg s10;
	s7 =	sadd.s32 s8, s7;
	s8 =	sshrl.u32 s11, $0x2  }
0x8: {  	[dreg:$0x1a] =	wrdreg s4;
	s13 =	sadd.s32 s8, s3  }
0x9: {  	s1 =	sadd.s32 $0x2000, s13;
	[dreg:$0x5] =	wrdreg s13  }
0xa: {  	s5 =	sadd.s32 $0x17C00, s0;
	s15 =	sadd.s32 $0x4000, s13;
	[dreg:$0x7] =	wrdreg s1  }
0xb: {  	s6 =	sadd.s32 $0x35C00, s0;
	s16 =	sadd.s32 $0x6000, s13;
	[dreg:$0x8] =	wrdreg s15  }
0xc: {  	s12 =	ssub.s32 $0x2, s2;
	s17 =	sadd.s32 $0x8000, s13;
	[dreg:$0x9] =	wrdreg s16  }
0xd: {  	s10 =	sshrl.u32 s12, $0x1;
	s8 =	sadd.s32 $0xA000, s13;
	[dreg:$0xa] =	wrdreg s17  }
0xe: {  	s7 =	sshll.u32 s7, $0x4;
	s28 =	sadd.s32 $0xC000, s13;
	[dreg:$0xb] =	wrdreg s8  }
0xf: {  	s0 =	sadd.s32 s7, s0;
	s30 =	sadd.s32 $0x10000, s13;
	[dreg:$0x16] =	wrdreg s28  }
0x10: {  	s7 =	ssub.s32 s12, s10;
	s10 =	sadd.s32 $0x12000, s13;
	[dreg:$0x18] =	wrdreg s30  }
0x11: {  	s14 =	smax.u32 s7, $0x1;
	[dreg:$0x19] =	wrdreg s10  }
0x12: {  	s31 =	simm.s32 $0x2800;
	s18 =	sadd.s32 $0x5DC00, s0;
	[dreg:$0x6] =	wrdreg s14  }
0x13: {  	s2 =	sor.u32 s2, s9;
	s19 =	sadd.s32 $0x5E000, s0;
	[dreg:$0xc] =	wrdreg s18  }
0x14: {  	s9 =	smul.u32 $0xA0, s2;
	s20 =	sadd.s32 $0x5E400, s0;
	[dreg:$0xd] =	wrdreg s19  }
0x15: {  	s2 =	simm.s32 $0x1400;
	s21 =	sadd.s32 $0x5E800, s0;
	[dreg:$0xe] =	wrdreg s20  }
0x16: {  	s11 =	simm.s32 $0x4;
	s22 =	sadd.s32 $0x5EC00, s0;
	[dreg:$0xf] =	wrdreg s21  }
0x17: {  	s12 =	simm.s32 $0x1580;
	s23 =	sadd.s32 $0x5F000, s0;
	[dreg:$0x10] =	wrdreg s22  }
0x18: {  	s24 =	sadd.s32 $0x5F400, s0;
	s25 =	sadd.s32 $0x5F800, s0;
	[dreg:$0x11] =	wrdreg s23  }
0x19: {  	s26 =	sadd.s32 $0x5FC00, s0;
	s0 =	sadd.s32 $0x60000, s0;
	[dreg:$0x12] =	wrdreg s24  }
0x1a: {  	s1 =	sadd.s32 $0xE000, s13;
	s7 =	simm.s32 $0x40;
	[dreg:$0x13] =	wrdreg s25  }
0x1b: {  	s16 =	simm.s32 $0x4800;
	s17 =	simm.s32 $0x100;
	[dreg:$0x14] =	wrdreg s26  }
0x1c: {  	s13 =	simm.s32 $0x5;
	s15 =	simm.s32 $0x7;
	[dreg:$0x15] =	wrdreg s0  }
0x1d: {  	s0 =	simm.s32 $0x9;
	s18 =	simm.s32 $0x6800;
	s19 =	simm.s32 $0x180  }
0x1e: {  	s20 =	simm.s32 $0x8800;
	s21 =	simm.s32 $0x1;
	s22 =	simm.s32 $0x2  }
0x1f: {  	s23 =	simm.s32 $0x1480;
	s24 =	simm.s32 $0x3;
	s25 =	simm.s32 $0x1500  }
0x20: {  	s14 =	simm.s32 $0x6;
	s26 =	simm.s32 $0x8;
	[dreg:$0x17] =	wrdreg s1  }
.LBB2_1:
0x21: {  	s4 =	rddreg [dreg:$0x4]  }
0x22: {  	[tilespmem:s31], [sflag:$0x9] =	stream.linear.gather [hbm4b:s4+s29], $0x2000, $0x38;
	[tilespmem:$0x1E800] =	vst v63  }
0x23: {  	_ =	swait.ge [sflag:s0], $0x2000  }
0x24: {  	[sflag:s0] =	ssyncset.done $0x0  }
0x25: {  	s4 =	rddreg [dreg:$0x5];
	[sflag:s0] =	ssyncadd.s32 $0xFFFFE000  }
0x26: {  	[spmem:s4] =	stream.linear.scatter [tilespmem:s31], [sflag:$0x9], $0x2000, $0x38;
	[tilespmem:$0x1E800] =	vst v63  }
0x27: {  	_ =	swait.ge [sflag:s0], $0x2000  }
0x28: {  	[sflag:s0] =	ssyncset.done $0x0  }
0x29: {  	s4 =	rddreg [dreg:$0x7];
	[sflag:s0] =	ssyncadd.s32 $0xFFFFE000  }
0x2a: {  	[spmem:s4] =	stream.linear.scatter [tilespmem:s31], [sflag:$0x9], $0x2000, $0x38;
	[tilespmem:$0x1E800] =	vst v63  }
0x2b: {  	_ =	swait.ge [sflag:s0], $0x2000  }
0x2c: {  	[sflag:s0] =	ssyncset.done $0x0  }
0x2d: {  	s4 =	rddreg [dreg:$0x8];
	[sflag:s0] =	ssyncadd.s32 $0xFFFFE000  }
0x2e: {  	[spmem:s4] =	stream.linear.scatter [tilespmem:s31], [sflag:$0x9], $0x2000, $0x38;
	[tilespmem:$0x1E800] =	vst v63  }
0x2f: {  	_ =	swait.ge [sflag:s0], $0x2000  }
0x30: {  	[sflag:s0] =	ssyncset.done $0x0  }
0x31: {  	s4 =	rddreg [dreg:$0x9];
	[sflag:s0] =	ssyncadd.s32 $0xFFFFE000  }
0x32: {  	[spmem:s4] =	stream.linear.scatter [tilespmem:s31], [sflag:$0x9], $0x2000, $0x38;
	[tilespmem:$0x1E800] =	vst v63  }
0x33: {  	_ =	swait.ge [sflag:s0], $0x2000  }
0x34: {  	[sflag:s0] =	ssyncset.done $0x0  }
0x35: {  	s4 =	rddreg [dreg:$0xa];
	[sflag:s0] =	ssyncadd.s32 $0xFFFFE000  }
0x36: {  	[spmem:s4] =	stream.linear.scatter [tilespmem:s31], [sflag:$0x9], $0x2000, $0x38;
	[tilespmem:$0x1E800] =	vst v63  }
0x37: {  	_ =	swait.ge [sflag:s0], $0x2000  }
0x38: {  	[sflag:s0] =	ssyncset.done $0x0  }
0x39: {  	[sflag:s0] =	ssyncadd.s32 $0xFFFFE000  }
0x3a: {  	[spmem:s8] =	stream.linear.scatter [tilespmem:s31], [sflag:$0x9], $0x2000, $0x38;
	[tilespmem:$0x1E800] =	vst v63  }
0x3b: {  	_ =	swait.ge [sflag:s0], $0x2000  }
0x3c: {  	[sflag:s0] =	ssyncset.done $0x0  }
0x3d: {  	[sflag:s0] =	ssyncadd.s32 $0xFFFFE000  }
0x3e: {  	[spmem:s28] =	stream.linear.scatter [tilespmem:s31], [sflag:$0x9], $0x2000, $0x38;
	[tilespmem:$0x1E800] =	vst v63  }
0x3f: {  	_ =	swait.ge [sflag:s0], $0x2000  }
0x40: {  	[sflag:s0] =	ssyncset.done $0x0  }
0x41: {  	[sflag:s0] =	ssyncadd.s32 $0xFFFFE000  }
0x42: {  	[spmem:s1] =	stream.linear.scatter [tilespmem:s31], [sflag:$0x9], $0x2000, $0x38;
	[tilespmem:$0x1E800] =	vst v63  }
0x43: {  	_ =	swait.ge [sflag:s0], $0x2000  }
0x44: {  	[sflag:s0] =	ssyncset.done $0x0  }
0x45: {  	[sflag:s0] =	ssyncadd.s32 $0xFFFFE000  }
0x46: {  	[spmem:s30] =	stream.linear.scatter [tilespmem:s31], [sflag:$0x9], $0x2000, $0x38;
	[tilespmem:$0x1E800] =	vst v63  }
0x47: {  	_ =	swait.ge [sflag:s0], $0x2000  }
0x48: {  	[sflag:s0] =	ssyncset.done $0x0  }
0x49: {  	[sflag:s0] =	ssyncadd.s32 $0xFFFFE000  }
0x4a: {  	[spmem:s10] =	stream.linear.scatter [tilespmem:s31], [sflag:$0x9], $0x2000, $0x38;
	[tilespmem:$0x1E800] =	vst v63  }
0x4b: {  	_ =	swait.ge [sflag:s0], $0x2000  }
0x4c: {  	[sflag:s0] =	ssyncset.done $0x0  }
0x4d: {  	[sflag:s0] =	ssyncadd.s32 $0xFFFFE000  }
0x4e: {  	[bflag:$0x0] =	sbarrier.arrive $0xFFFF  }
0x4f: {  	s29 =	simm.s32 $0x0;
	s10 =	simm.s32 $0x80;
	s1 =	rddreg [dreg:$0x0]  }
.LBB2_2:
0x50: {  	s8 =	smul.u32 $0x28, s29;
	_ =	sdelay $0x1  }
0x51: {  	s8 =	sadd.s32 s9, s8  }
0x52: {  	s8 =	sshll.u32 s8, $0x4  }
0x53: {  	s4 =	simm.s32 $0x0;
	s30 =	sadd.s32 s1, s8  }
0x54: {  	[tilespmem:s4], [sflag:$0x9] =	stream.linear.gather [hbm4b:s30+s4], $0x1400, $0x38;
	[tilespmem:$0x1E800] =	vst v63  }
0x55: {  	_ =	swait.ge [sflag:s0], $0x1400  }
0x56: {  	[sflag:s0] =	ssyncset.done $0x0  }
0x57: {  	s8 =	sadd.s32 s5, s8;
	[sflag:s0] =	ssyncadd.s32 $0xFFFFEC00  }
0x58: {  	[tilespmem:s2], [sflag:$0x9] =	stream.linear.gather [hbm4b:s8+s4], $0x1400, $0x38;
	[tilespmem:$0x1E800] =	vst v63  }
0x59: {  	_ =	swait.ge [sflag:s0], $0x1400  }
0x5a: {  	[sflag:s0] =	ssyncset.done $0x0  }
0x5b: {  	[sflag:s0] =	ssyncadd.s32 $0xFFFFEC00  }
0x5c: {  	[tilespmem:s31], [sflag:$0x1] =	stream.indirect.gather [hbm4b:s6+s7], $0x80, s4, s7, $0xb8;
	[tilespmem:$0x1E800] =	vst v63  }
0x5d: {  	_ = 	snop  }
0x5e: {  	[tilespmem:s16], [sflag:$0x2] =	stream.indirect.gather [hbm4b:s6+s7], $0x80, s10, s7, $0xb8;
	[tilespmem:$0x1E800] =	vst v63  }
0x5f: {  	_ = 	snop  }
0x60: {  	[tilespmem:s18], [sflag:$0x3] =	stream.indirect.gather [hbm4b:s6+s7], $0x80, s17, s7, $0xb8;
	[tilespmem:$0x1E800] =	vst v63  }
0x61: {  	_ = 	snop  }
0x62: {  	[tilespmem:s20], [sflag:$0x4] =	stream.indirect.gather [hbm4b:s6+s7], $0x80, s19, s7, $0xb8;
	[tilespmem:$0x1E800] =	vst v63  }
0x63: {  	_ =	swait.ge [sflag:s21], $0x2000  }
0x64: {  	[sflag:s21] =	ssyncset.done $0x0  }
0x65: {  	[sflag:s21] =	ssyncadd.s32 $0xFFFFE000  }
0x66: {  	[spmem:s3] =	stream.indirect.scatter.add.f32 [tilespmem:s31], [sflag:$0x5], $0x80, s2, s7, $0xb8;
	[tilespmem:$0x1E800] =	vst v63  }
0x67: {  	_ =	swait.ge [sflag:s22], $0x2000  }
0x68: {  	[sflag:s22] =	ssyncset.done $0x0  }
0x69: {  	[sflag:s22] =	ssyncadd.s32 $0xFFFFE000  }
0x6a: {  	[spmem:s3] =	stream.indirect.scatter.add.f32 [tilespmem:s16], [sflag:$0x6], $0x80, s23, s7, $0xb8;
	[tilespmem:$0x1E800] =	vst v63  }
0x6b: {  	_ =	swait.ge [sflag:s24], $0x2000  }
0x6c: {  	[sflag:s24] =	ssyncset.done $0x0  }
0x6d: {  	[sflag:s24] =	ssyncadd.s32 $0xFFFFE000  }
0x6e: {  	[spmem:s3] =	stream.indirect.scatter.add.f32 [tilespmem:s18], [sflag:$0x7], $0x80, s25, s7, $0xb8;
	[tilespmem:$0x1E800] =	vst v63  }
0x6f: {  	_ =	swait.ge [sflag:s11], $0x2000  }
0x70: {  	[sflag:s11] =	ssyncset.done $0x0  }
0x71: {  	[sflag:s11] =	ssyncadd.s32 $0xFFFFE000  }
0x72: {  	[spmem:s3] =	stream.indirect.scatter.add.f32 [tilespmem:s20], [sflag:$0x8], $0x80, s12, s7, $0xb8;
	[tilespmem:$0x1E800] =	vst v63  }
0x73: {  	_ =	swait.ge [sflag:s13], $0x2000  }
0x74: {  	[sflag:s13] =	ssyncset.done $0x0  }
0x75: {  	s28 =	simm.s32 $0x200;
	[sflag:s13] =	ssyncadd.s32 $0xFFFFE000  }
0x76: {  	[tilespmem:s31], [sflag:$0x1] =	stream.indirect.gather [hbm4b:s6+s7], $0x80, s28, s7, $0xb8;
	[tilespmem:$0x1E800] =	vst v63  }
0x77: {  	_ =	swait.ge [sflag:s14], $0x2000  }
0x78: {  	[sflag:s14] =	ssyncset.done $0x0  }
0x79: {  	s8 =	simm.s32 $0x280;
	[sflag:s14] =	ssyncadd.s32 $0xFFFFE000  }
0x7a: {  	[tilespmem:s16], [sflag:$0x2] =	stream.indirect.gather [hbm4b:s6+s7], $0x80, s8, s7, $0xb8;
	[tilespmem:$0x1E800] =	vst v63  }
0x7b: {  	_ =	swait.ge [sflag:s15], $0x2000  }
0x7c: {  	[sflag:s15] =	ssyncset.done $0x0  }
0x7d: {  	s28 =	simm.s32 $0x300;
	[sflag:s15] =	ssyncadd.s32 $0xFFFFE000  }
0x7e: {  	[tilespmem:s18], [sflag:$0x3] =	stream.indirect.gather [hbm4b:s6+s7], $0x80, s28, s7, $0xb8;
	[tilespmem:$0x1E800] =	vst v63  }
0x7f: {  	_ =	swait.ge [sflag:s26], $0x2000  }
0x80: {  	[sflag:s26] =	ssyncset.done $0x0  }
0x81: {  	s8 =	simm.s32 $0x380;
	[sflag:s26] =	ssyncadd.s32 $0xFFFFE000  }
0x82: {  	[tilespmem:s20], [sflag:$0x4] =	stream.indirect.gather [hbm4b:s6+s7], $0x80, s8, s7, $0xb8;
	[tilespmem:$0x1E800] =	vst v63  }
0x83: {  	_ =	swait.ge [sflag:s21], $0x2000  }
0x84: {  	[sflag:s21] =	ssyncset.done $0x0  }
0x85: {  	s28 =	simm.s32 $0x1600;
	[sflag:s21] =	ssyncadd.s32 $0xFFFFE000  }
0x86: {  	[spmem:s3] =	stream.indirect.scatter.add.f32 [tilespmem:s31], [sflag:$0x5], $0x80, s28, s7, $0xb8;
	[tilespmem:$0x1E800] =	vst v63  }
0x87: {  	_ =	swait.ge [sflag:s22], $0x2000  }
0x88: {  	[sflag:s22] =	ssyncset.done $0x0  }
0x89: {  	s8 =	simm.s32 $0x1680;
	[sflag:s22] =	ssyncadd.s32 $0xFFFFE000  }
0x8a: {  	[spmem:s3] =	stream.indirect.scatter.add.f32 [tilespmem:s16], [sflag:$0x6], $0x80, s8, s7, $0xb8;
	[tilespmem:$0x1E800] =	vst v63  }
0x8b: {  	_ =	swait.ge [sflag:s24], $0x2000  }
0x8c: {  	[sflag:s24] =	ssyncset.done $0x0  }
0x8d: {  	s28 =	simm.s32 $0x1700;
	[sflag:s24] =	ssyncadd.s32 $0xFFFFE000  }
0x8e: {  	[spmem:s3] =	stream.indirect.scatter.add.f32 [tilespmem:s18], [sflag:$0x7], $0x80, s28, s7, $0xb8;
	[tilespmem:$0x1E800] =	vst v63  }
0x8f: {  	_ =	swait.ge [sflag:s11], $0x2000  }
0x90: {  	[sflag:s11] =	ssyncset.done $0x0  }
0x91: {  	s30 =	simm.s32 $0x800;
	s8 =	simm.s32 $0x1780;
	[sflag:s11] =	ssyncadd.s32 $0xFFFFE000  }
.LBB2_3:
0x92: {  	[spmem:s3] =	stream.indirect.scatter.add.f32 [tilespmem:s20], [sflag:$0x8], $0x80, s8, s7, $0xb8;
	[tilespmem:$0x1E800] =	vst v63  }
0x93: {  	s4 =	smov.u32 s30  }
0x94: {  	p0 =	sne.s32 s30, $0x4000;
	s30 =	sadd.s32 $0x800, s30;
	_ =	swait.ge [sflag:s13], $0x2000  }
0x95: {  	s8 =	sshra.s32 s4, $0x2;
	[sflag:s13] =	ssyncset.done $0x0  }
0x96: {  	s4 =	sadd.s32 $0x200, s8;
	[sflag:s13] =	ssyncadd.s32 $0xFFFFE000  }
0x97: {  	[tilespmem:s31], [sflag:$0x1] =	stream.indirect.gather [hbm4b:s6+s7], $0x80, s4, s7, $0xb8;
	[tilespmem:$0x1E800] =	vst v63  }
0x98: {  	_ =	swait.ge [sflag:s14], $0x2000  }
0x99: {  	[sflag:s14] =	ssyncset.done $0x0  }
0x9a: {  	s4 =	sadd.s32 $0x280, s8;
	[sflag:s14] =	ssyncadd.s32 $0xFFFFE000  }
0x9b: {  	[tilespmem:s16], [sflag:$0x2] =	stream.indirect.gather [hbm4b:s6+s7], $0x80, s4, s7, $0xb8;
	[tilespmem:$0x1E800] =	vst v63  }
0x9c: {  	_ =	swait.ge [sflag:s15], $0x2000  }
0x9d: {  	[sflag:s15] =	ssyncset.done $0x0  }
0x9e: {  	s4 =	sadd.s32 $0x300, s8;
	[sflag:s15] =	ssyncadd.s32 $0xFFFFE000  }
0x9f: {  	[tilespmem:s18], [sflag:$0x3] =	stream.indirect.gather [hbm4b:s6+s7], $0x80, s4, s7, $0xb8;
	[tilespmem:$0x1E800] =	vst v63  }
0xa0: {  	_ =	swait.ge [sflag:s26], $0x2000  }
0xa1: {  	[sflag:s26] =	ssyncset.done $0x0  }
0xa2: {  	s4 =	sadd.s32 $0x380, s8;
	[sflag:s26] =	ssyncadd.s32 $0xFFFFE000  }
0xa3: {  	[tilespmem:s20], [sflag:$0x4] =	stream.indirect.gather [hbm4b:s6+s7], $0x80, s4, s7, $0xb8;
	[tilespmem:$0x1E800] =	vst v63  }
0xa4: {  	_ =	swait.ge [sflag:s21], $0x2000  }
0xa5: {  	[sflag:s21] =	ssyncset.done $0x0  }
0xa6: {  	s4 =	sadd.s32 $0x1600, s8;
	[sflag:s21] =	ssyncadd.s32 $0xFFFFE000  }
0xa7: {  	[spmem:s3] =	stream.indirect.scatter.add.f32 [tilespmem:s31], [sflag:$0x5], $0x80, s4, s7, $0xb8;
	[tilespmem:$0x1E800] =	vst v63  }
0xa8: {  	_ =	swait.ge [sflag:s22], $0x2000  }
0xa9: {  	[sflag:s22] =	ssyncset.done $0x0  }
0xaa: {  	s4 =	sadd.s32 $0x1680, s8;
	[sflag:s22] =	ssyncadd.s32 $0xFFFFE000  }
0xab: {  	[spmem:s3] =	stream.indirect.scatter.add.f32 [tilespmem:s16], [sflag:$0x6], $0x80, s4, s7, $0xb8;
	[tilespmem:$0x1E800] =	vst v63  }
0xac: {  	_ =	swait.ge [sflag:s24], $0x2000  }
0xad: {  	[sflag:s24] =	ssyncset.done $0x0  }
.Ltmp0:
0xae: {  	s4 =	sadd.s32 $0x1700, s8;
	[sflag:s24] =	ssyncadd.s32 $0xFFFFE000;
	(pc) =	sbr.rel @p0 .LBB2_3-.Ltmp0, $4  }
0xaf: {  	[spmem:s3] =	stream.indirect.scatter.add.f32 [tilespmem:s18], [sflag:$0x7], $0x80, s4, s7, $0xb8;
	[tilespmem:$0x1E800] =	vst v63  }
0xb0: {  	_ =	swait.ge [sflag:s11], $0x2000  }
0xb1: {  	[sflag:s11] =	ssyncset.done $0x0  }
0xb2: {  	s8 =	sadd.s32 $0x1780, s8;
	[sflag:s11] =	ssyncadd.s32 $0xFFFFE000  }
0xb3: {  	[spmem:s3] =	stream.indirect.scatter.add.f32 [tilespmem:s20], [sflag:$0x8], $0x80, s8, s7, $0xb8;
	[tilespmem:$0x1E800] =	vst v63  }
0xb4: {  	_ =	swait.ge [sflag:s13], $0x2000  }
0xb5: {  	[sflag:s13] =	ssyncset.done $0x0  }
0xb6: {  	[sflag:s13] =	ssyncadd.s32 $0xFFFFE000  }
0xb7: {  	_ =	swait.ge [sflag:s14], $0x2000  }
0xb8: {  	[sflag:s14] =	ssyncset.done $0x0  }
0xb9: {  	s29 =	sadd.s32 $0x1, s29;
	[sflag:s14] =	ssyncadd.s32 $0xFFFFE000  }
0xba: {  	p0 =	sne.s32 s29, $0x4;
	_ =	swait.ge [sflag:s15], $0x2000  }
.Ltmp1:
0xbb: {  	[sflag:s15] =	ssyncset.done $0x0;
	(pc) =	sbr.rel @p0 .LBB2_2-.Ltmp1, $4  }
0xbc: {  	[sflag:s15] =	ssyncadd.s32 $0xFFFFE000  }
0xbd: {  	_ =	swait.ge [sflag:s26], $0x2000  }
0xbe: {  	[sflag:s26] =	ssyncset.done $0x0  }
0xbf: {  	[sflag:s26] =	ssyncadd.s32 $0xFFFFE000  }
0xc0: {  	[bflag:$0x0] =	sbarrier.arrive $0xFFFF  }
0xc1: {  	s1 =	rddreg [dreg:$0x5]  }
0xc2: {  	[tilespmem:s31], [sflag:$0x9] =	stream.linear.gather [spmem:s1], $0x2000, $0x38;
	[tilespmem:$0x1E800] =	vst v63  }
0xc3: {  	_ =	swait.ge [sflag:s0], $0x2000  }
0xc4: {  	[sflag:s0] =	ssyncset.done $0x0  }
0xc5: {  	s29 =	simm.s32 $0x0;
	s4 =	rddreg [dreg:$0xc];
	[sflag:s0] =	ssyncadd.s32 $0xFFFFE000  }
0xc6: {  	[hbm4b:s4+s29] =	stream.linear.scatter [tilespmem:s31], [sflag:$0x9], $0x2000, $0x38;
	[tilespmem:$0x1E800] =	vst v63  }
0xc7: {  	_ =	swait.ge [sflag:s0], $0x2000  }
0xc8: {  	[sflag:s0] =	ssyncset.done $0x0  }
0xc9: {  	s8 =	rddreg [dreg:$0x7];
	[sflag:s0] =	ssyncadd.s32 $0xFFFFE000  }
0xca: {  	[tilespmem:s31], [sflag:$0x9] =	stream.linear.gather [spmem:s8], $0x2000, $0x38;
	[tilespmem:$0x1E800] =	vst v63  }
0xcb: {  	_ =	swait.ge [sflag:s0], $0x2000  }
0xcc: {  	[sflag:s0] =	ssyncset.done $0x0  }
0xcd: {  	s10 =	rddreg [dreg:$0xd];
	[sflag:s0] =	ssyncadd.s32 $0xFFFFE000  }
0xce: {  	[hbm4b:s10+s29] =	stream.linear.scatter [tilespmem:s31], [sflag:$0x9], $0x2000, $0x38;
	[tilespmem:$0x1E800] =	vst v63  }
0xcf: {  	_ =	swait.ge [sflag:s0], $0x2000  }
0xd0: {  	[sflag:s0] =	ssyncset.done $0x0  }
0xd1: {  	s17 =	rddreg [dreg:$0x8];
	[sflag:s0] =	ssyncadd.s32 $0xFFFFE000  }
0xd2: {  	[tilespmem:s31], [sflag:$0x9] =	stream.linear.gather [spmem:s17], $0x2000, $0x38;
	[tilespmem:$0x1E800] =	vst v63  }
0xd3: {  	_ =	swait.ge [sflag:s0], $0x2000  }
0xd4: {  	[sflag:s0] =	ssyncset.done $0x0  }
0xd5: {  	s4 =	rddreg [dreg:$0xe];
	[sflag:s0] =	ssyncadd.s32 $0xFFFFE000  }
0xd6: {  	[hbm4b:s4+s29] =	stream.linear.scatter [tilespmem:s31], [sflag:$0x9], $0x2000, $0x38;
	[tilespmem:$0x1E800] =	vst v63  }
0xd7: {  	_ =	swait.ge [sflag:s0], $0x2000  }
0xd8: {  	[sflag:s0] =	ssyncset.done $0x0  }
0xd9: {  	s8 =	rddreg [dreg:$0x9];
	[sflag:s0] =	ssyncadd.s32 $0xFFFFE000  }
0xda: {  	[tilespmem:s31], [sflag:$0x9] =	stream.linear.gather [spmem:s8], $0x2000, $0x38;
	[tilespmem:$0x1E800] =	vst v63  }
0xdb: {  	_ =	swait.ge [sflag:s0], $0x2000  }
0xdc: {  	[sflag:s0] =	ssyncset.done $0x0  }
0xdd: {  	s4 =	rddreg [dreg:$0xf];
	[sflag:s0] =	ssyncadd.s32 $0xFFFFE000  }
0xde: {  	[hbm4b:s4+s29] =	stream.linear.scatter [tilespmem:s31], [sflag:$0x9], $0x2000, $0x38;
	[tilespmem:$0x1E800] =	vst v63  }
0xdf: {  	_ =	swait.ge [sflag:s0], $0x2000  }
0xe0: {  	[sflag:s0] =	ssyncset.done $0x0  }
0xe1: {  	s10 =	rddreg [dreg:$0xa];
	[sflag:s0] =	ssyncadd.s32 $0xFFFFE000  }
0xe2: {  	[tilespmem:s31], [sflag:$0x9] =	stream.linear.gather [spmem:s10], $0x2000, $0x38;
	[tilespmem:$0x1E800] =	vst v63  }
0xe3: {  	_ =	swait.ge [sflag:s0], $0x2000  }
0xe4: {  	[sflag:s0] =	ssyncset.done $0x0  }
0xe5: {  	s17 =	rddreg [dreg:$0x10];
	[sflag:s0] =	ssyncadd.s32 $0xFFFFE000  }
0xe6: {  	[hbm4b:s17+s29] =	stream.linear.scatter [tilespmem:s31], [sflag:$0x9], $0x2000, $0x38;
	[tilespmem:$0x1E800] =	vst v63  }
0xe7: {  	_ =	swait.ge [sflag:s0], $0x2000  }
0xe8: {  	[sflag:s0] =	ssyncset.done $0x0  }
0xe9: {  	s8 =	rddreg [dreg:$0xb];
	[sflag:s0] =	ssyncadd.s32 $0xFFFFE000  }
0xea: {  	[tilespmem:s31], [sflag:$0x9] =	stream.linear.gather [spmem:s8], $0x2000, $0x38;
	[tilespmem:$0x1E800] =	vst v63  }
0xeb: {  	_ =	swait.ge [sflag:s0], $0x2000  }
0xec: {  	[sflag:s0] =	ssyncset.done $0x0  }
0xed: {  	s1 =	rddreg [dreg:$0x11];
	[sflag:s0] =	ssyncadd.s32 $0xFFFFE000  }
0xee: {  	[hbm4b:s1+s29] =	stream.linear.scatter [tilespmem:s31], [sflag:$0x9], $0x2000, $0x38;
	[tilespmem:$0x1E800] =	vst v63  }
0xef: {  	_ =	swait.ge [sflag:s0], $0x2000  }
0xf0: {  	[sflag:s0] =	ssyncset.done $0x0  }
0xf1: {  	s28 =	rddreg [dreg:$0x16];
	[sflag:s0] =	ssyncadd.s32 $0xFFFFE000  }
0xf2: {  	[tilespmem:s31], [sflag:$0x9] =	stream.linear.gather [spmem:s28], $0x2000, $0x38;
	[tilespmem:$0x1E800] =	vst v63  }
0xf3: {  	_ =	swait.ge [sflag:s0], $0x2000  }
0xf4: {  	[sflag:s0] =	ssyncset.done $0x0  }
0xf5: {  	s10 =	rddreg [dreg:$0x12];
	[sflag:s0] =	ssyncadd.s32 $0xFFFFE000  }
0xf6: {  	[hbm4b:s10+s29] =	stream.linear.scatter [tilespmem:s31], [sflag:$0x9], $0x2000, $0x38;
	[tilespmem:$0x1E800] =	vst v63  }
0xf7: {  	_ =	swait.ge [sflag:s0], $0x2000  }
0xf8: {  	[sflag:s0] =	ssyncset.done $0x0  }
0xf9: {  	s1 =	rddreg [dreg:$0x17];
	[sflag:s0] =	ssyncadd.s32 $0xFFFFE000  }
0xfa: {  	[tilespmem:s31], [sflag:$0x9] =	stream.linear.gather [spmem:s1], $0x2000, $0x38;
	[tilespmem:$0x1E800] =	vst v63  }
0xfb: {  	_ =	swait.ge [sflag:s0], $0x2000  }
0xfc: {  	[sflag:s0] =	ssyncset.done $0x0  }
0xfd: {  	s17 =	rddreg [dreg:$0x13];
	[sflag:s0] =	ssyncadd.s32 $0xFFFFE000  }
0xfe: {  	[hbm4b:s17+s29] =	stream.linear.scatter [tilespmem:s31], [sflag:$0x9], $0x2000, $0x38;
	[tilespmem:$0x1E800] =	vst v63  }
0xff: {  	_ =	swait.ge [sflag:s0], $0x2000  }
0x100: {  	[sflag:s0] =	ssyncset.done $0x0  }
0x101: {  	s30 =	rddreg [dreg:$0x18];
	[sflag:s0] =	ssyncadd.s32 $0xFFFFE000  }
0x102: {  	[tilespmem:s31], [sflag:$0x9] =	stream.linear.gather [spmem:s30], $0x2000, $0x38;
	[tilespmem:$0x1E800] =	vst v63  }
0x103: {  	_ =	swait.ge [sflag:s0], $0x2000  }
0x104: {  	[sflag:s0] =	ssyncset.done $0x0  }
0x105: {  	s10 =	rddreg [dreg:$0x14];
	[sflag:s0] =	ssyncadd.s32 $0xFFFFE000  }
0x106: {  	[hbm4b:s10+s29] =	stream.linear.scatter [tilespmem:s31], [sflag:$0x9], $0x2000, $0x38;
	[tilespmem:$0x1E800] =	vst v63  }
0x107: {  	_ =	swait.ge [sflag:s0], $0x2000  }
0x108: {  	[sflag:s0] =	ssyncset.done $0x0  }
0x109: {  	s10 =	rddreg [dreg:$0x19];
	[sflag:s0] =	ssyncadd.s32 $0xFFFFE000  }
0x10a: {  	[tilespmem:s31], [sflag:$0x9] =	stream.linear.gather [spmem:s10], $0x2000, $0x38;
	[tilespmem:$0x1E800] =	vst v63  }
0x10b: {  	_ =	swait.ge [sflag:s0], $0x2000  }
0x10c: {  	[sflag:s0] =	ssyncset.done $0x0  }
0x10d: {  	s17 =	rddreg [dreg:$0x15];
	[sflag:s0] =	ssyncadd.s32 $0xFFFFE000  }
0x10e: {  	[hbm4b:s17+s29] =	stream.linear.scatter [tilespmem:s31], [sflag:$0x9], $0x2000, $0x38;
	[tilespmem:$0x1E800] =	vst v63  }
0x10f: {  	_ =	swait.ge [sflag:s0], $0x2000  }
0x110: {  	s17 =	rddreg [dreg:$0x1a]  }
0x111: {  	s4 =	rddreg [dreg:$0x6];
	s17 =	sadd.s32 $0x1, s17  }
0x112: {  	p0 =	sne.s32 s17, s4  }
.Ltmp2:
0x113: {  	_ = 	snop;
	(pc) =	sbr.rel @p0 .LBB2_1-.Ltmp2, $3  }
0x114: {  	_ =	sdelay $0x1  }
0x115: {  	[sflag:s0] =	ssyncset.done $0x0  }
0x116: {  	[sflag:s0] =	ssyncadd.s32 $0xFFFFE000;
	[dreg:$0x1a] =	wrdreg s17;
	s17 =	simm.s32 $0x100  }
0x117: {  	_ =	sfence.sel $0x180000  }
0x118: {  	[bflag:$0x0] =	sbarrier.arrive $0xFFFF  }
0x119: {  	_ =	strace $0x9000004A  }
0x11a: {  	s0 =	stileid.u32;
	[bflag:$0x2] =	sbarrier.arrive $0xFFFF  }
0x11b: {  	p0 =	sne.s32 s0, $0x0;
	s0 =	rddreg [dreg:$0x3]  }
0x11c: {  	s0 =	sadd.s32 @!p0 $0x100000, s0  }
0x11d: {  	[sflag:s0] =	ssyncadd.tile.s32 @!p0 $0x1;
	_ =	shalt  }
.Lfunc_end2:
_tile_overlayer_lowered:
.L_overlay_start_2:
0x11e: {  	(tag) =	ssettag $0x2  }
0x11f: {  	s0 =	rddreg [dreg:$0x0];
	s2 =	stileid.u32  }
0x120: {  	s1 =	rddreg [dreg:$0x1];
	p0 =	sne.s32 s2, $0x0  }
0x121: {  	s3 =	rddreg [dreg:$0x2];
	[bflag:$0x3] =	sbarrier.arrive $0xFFFF;
	s2 =	simm.s32 @!p0 $0x1C09  }
0x122: {  	[timem:s3], [sflag:s2] =	dma.local @!p0 [hbm:s0], s1  }
0x123: {  	s0 =	simm.s32 @!p0 $0x9  }
0x124: {  	_ =	swait.ge @!p0 [sflag:s0], s1  }
0x125: {  	s1 =	ssub.s32 @!p0 $0x0, s1;
	[sflag:s0] =	ssyncset.done @!p0 $0x0  }
0x126: {  	[sflag:s0] =	ssyncadd.s32 @!p0 s1  }
0x127: {  	[bflag:$0x3] =	sbarrier.arrive $0xFFFF  }
0x128: {  	_ =	shalt  }

// kernel: kernel.14.cloned.1.call-start
scs
__scs_entry_jumppad:
0x0: {  	(pc) =	sbr.rel $0x88, $3  }
0x1: {  	(tag) =	ssettag $0x0;
	lr =	simm.s32 $0x1  }
0x2: {  	[smem:$0x3F95] =	sst lr;
	_ =	strace $0xD0000000  }
0x3: {  	_ = 	snop  }
0x4: {  	_ = 	snop  }
0x5: {  	_ = 	snop  }
0x6: {  	_ = 	snop  }
0x7: {  	_ = 	snop  }
__scs_overlays_trampoline_lowered:
0x8: {  	[smem:$0x3FA4] =	sst s0  }
0x9: {  	[smem:$0x3FA5] =	sst s1  }
0xa: {  	[smem:$0x3FA6] =	sst s2  }
0xb: {  	[smem:$0x3FA7] =	sst s3  }
0xc: {  	[smem:$0x3FA8] =	sst s4  }
0xd: {  	[smem:$0x3FA9] =	sst s5  }
0xe: {  	[smem:$0x3FAA] =	sst s6  }
0xf: {  	[smem:$0x3FAB] =	sst s7  }
0x10: {  	[smem:$0x3FAC] =	sst s8  }
0x11: {  	[smem:$0x3FAD] =	sst s9;
	s0 =	simm.s32 @!p0 $0x0  }
0x12: {  	s1 =	sld [smem:$0x3F93];
	s0 =	simm.s32 @p0 $0x1  }
0x13: {  	[smem:$0x3FAE] =	sst s0;
	s0 =	simm.s32 @!p1 $0x0  }
0x14: {  	s2 =	sld [smem:$0x3F92];
	s0 =	simm.s32 @p1 $0x1  }
0x15: {  	[smem:$0x3FAF] =	sst s0;
	s0 =	simm.s32 @!p2 $0x0  }
0x16: {  	s3 =	sld [smem:$0x3FDB];
	s0 =	simm.s32 @p2 $0x1  }
0x17: {  	s4 =	simm.s32 $0x1BF5;
	[smem:$0x3FB1] =	sst s0  }
0x18: {  	s0 =	sld [smem:$0x3F94];
	_ =	swait.ge [sflag:s4], $0x0  }
0x19: {  	s7 =	sld [smem:$0x3F95]  }
0x1a: {  	s8 =	sadd.s32 $0xFFFFE003, lr  }
0x1b: {  	s9 =	sadd.s32 $0xFFFFFEF7, lr;
	s5 =	simm.s32 $0xFFFFFFFF;
	p2 =	slt.u32 s8, $0xFFFFF086  }
0x1c: {  	p1 =	slt.u32 s9, $0xF7A;
	s5 =	simm.s32 @!p2 $0x0  }
0x1d: {  	s5 =	simm.s32 @p1 $0x1;
	p0 =	seq.s32 s7, s2  }
0x1e: {  	s7 =	smul.u32 @!p0 $0xF7A, s2;
	p2 =	seq.s32 @!p0 s5, $0x0  }
0x1f: {  	s9 =	smul.u32 $0xF7A, s1;
	s8 =	simm.s32 @!p0 $0x1BF5;
	p2 =	por !p2, p0  }
0x20: {  	[sflag:s8] =	ssyncset.s32 @!p0 $0xFFFFF086;
	s6 =	sadd.s32 @!p0 s3, s7;
	s7 =	simm.s32 @!p0 $0x108  }
0x21: {  	s3 =	sadd.s32 s3, s9;
	s6 =	sadd.s32 @!p0 $0x88, s6;
	s7 =	simm.s32 @p2 $0x1082  }
0x22: {  	[simem:s7], [sflag:s8] =	dma.local @!p0 [hbm:s6], $0xF7A  }
0x23: {  	s9 =	sor.u32 $0xD0000000, s2;
	s6 =	simm.s32 $0x108;
	_ =	swait.ge @!p0 [sflag:s8], $0x0  }
0x24: {  	s3 =	sadd.s32 $0x88, s3;
	s6 =	simm.s32 @!p1 $0x1082;
	[sflag:s4] =	ssyncset.s32 $0xFFFFF086  }
0x25: {  	[simem:s6], [sflag:s4] =	dma.local [hbm:s3], $0xF7A  }
0x26: {  	[smem:$0x3F95] =	sst s1;
	(tag) =	ssettag s2;
	_ =	strace s9  }
0x27: {  	s1 =	sld [smem:$0x3FA5]  }
0x28: {  	s2 =	sld [smem:$0x3FA6]  }
0x29: {  	s4 =	sld [smem:$0x3FA8]  }
0x2a: {  	p0 =	seq.s32 s5, $0x0;
	s5 =	sld [smem:$0x3FA9]  }
0x2b: {  	s6 =	sld [smem:$0x3FAA]  }
0x2c: {  	s7 =	sld [smem:$0x3FAB]  }
0x2d: {  	s3 =	simm.s32 $0x108;
	s8 =	sld [smem:$0x3FAC]  }
0x2e: {  	s3 =	simm.s32 @!p0 $0x1082;
	s9 =	sld [smem:$0x3FAD]  }
0x2f: {  	lr =	sadd.s32 s0, s3;
	s0 =	sld [smem:$0x3FA4]  }
0x30: {  	s3 =	sld [smem:$0x3FA7]  }
0x31: {  	[smem:$0x3FB0] =	sst s10  }
0x32: {  	s10 =	sld [smem:$0x3FAE];
	_ =	sdelay $0x3  }
0x33: {  	p0 =	seq.s32 s10, $0x1;
	s10 =	sld [smem:$0x3FB0];
	_ =	sdelay $0x3  }
0x34: {  	[smem:$0x3FB0] =	sst s10  }
0x35: {  	s10 =	sld [smem:$0x3FAF];
	_ =	sdelay $0x3  }
0x36: {  	p1 =	seq.s32 s10, $0x1;
	s10 =	sld [smem:$0x3FB0];
	_ =	sdelay $0x3  }
0x37: {  	[smem:$0x3FB0] =	sst s10  }
0x38: {  	s10 =	sld [smem:$0x3FB1]  }
0x39: {  	_ = 	snop;
	(pc) =	sbr.ind lr, $3  }
0x3a: {  	_ = 	snop  }
0x3b: {  	_ = 	snop  }
0x3c: {  	p2 =	seq.s32 s10, $0x1;
	s10 =	sld [smem:$0x3FB0]  }
0x3d: {  	_ =	shalt  }
0x3e: {  	_ =	shalt  }
0x3f: {  	_ =	shalt  }
0x40: {  	_ =	shalt  }
0x41: {  	_ =	shalt  }
0x42: {  	_ =	shalt  }
0x43: {  	_ =	shalt  }
0x44: {  	_ =	shalt  }
0x45: {  	_ =	shalt  }
0x46: {  	_ =	shalt  }
0x47: {  	_ =	shalt  }
0x48: {  	_ =	shalt  }
0x49: {  	_ =	shalt  }
0x4a: {  	_ =	shalt  }
0x4b: {  	_ =	shalt  }
0x4c: {  	_ =	shalt  }
0x4d: {  	_ =	shalt  }
0x4e: {  	_ =	shalt  }
0x4f: {  	_ =	shalt  }
0x50: {  	_ =	shalt  }
0x51: {  	_ =	shalt  }
0x52: {  	_ =	shalt  }
0x53: {  	_ =	shalt  }
0x54: {  	_ =	shalt  }
0x55: {  	_ =	shalt  }
0x56: {  	_ =	shalt  }
0x57: {  	_ =	shalt  }
0x58: {  	_ =	shalt  }
0x59: {  	_ =	shalt  }
0x5a: {  	_ =	shalt  }
0x5b: {  	_ =	shalt  }
0x5c: {  	_ =	shalt  }
0x5d: {  	_ =	shalt  }
0x5e: {  	_ =	shalt  }
0x5f: {  	_ =	shalt  }
0x60: {  	_ =	shalt  }
0x61: {  	_ =	shalt  }
0x62: {  	_ =	shalt  }
0x63: {  	_ =	shalt  }
0x64: {  	_ =	shalt  }
0x65: {  	_ =	shalt  }
0x66: {  	_ =	shalt  }
0x67: {  	_ =	shalt  }
0x68: {  	_ =	shalt  }
0x69: {  	_ =	shalt  }
0x6a: {  	_ =	shalt  }
0x6b: {  	_ =	shalt  }
0x6c: {  	_ =	shalt  }
0x6d: {  	_ =	shalt  }
0x6e: {  	_ =	shalt  }
0x6f: {  	_ =	shalt  }
0x70: {  	_ =	shalt  }
0x71: {  	_ =	shalt  }
0x72: {  	_ =	shalt  }
0x73: {  	_ =	shalt  }
0x74: {  	_ =	shalt  }
0x75: {  	_ =	shalt  }
0x76: {  	_ =	shalt  }
0x77: {  	_ =	shalt  }
0x78: {  	_ =	shalt  }
0x79: {  	_ =	shalt  }
0x7a: {  	_ =	shalt  }
0x7b: {  	_ =	shalt  }
0x7c: {  	_ =	shalt  }
0x7d: {  	_ =	shalt  }
0x7e: {  	_ =	shalt  }
0x7f: {  	_ =	shalt  }
0x80: {  	_ =	shalt  }
0x81: {  	_ =	shalt  }
0x82: {  	_ =	shalt  }
0x83: {  	_ =	shalt  }
0x84: {  	_ =	shalt  }
0x85: {  	_ =	shalt  }
0x86: {  	_ =	shalt  }
0x87: {  	_ =	shalt  }
.Lfunc_end0:
.L_simem_size_0:
called_computation.2_lowered:
.L_overlay_start_0:
0x88: {  	s2 =	sld [smem:$0x3FD9]  }
0x89: {  	s3 =	sld [smem:$0x3FFE];
	_ =	sdelay $0x1  }
0x8a: {  	s1 =	srdreg.scid  }
0x8b: {  	s0 =	sand.u32 $0x1, s1  }
0x8c: {  	s17 =	sshll.u32 s0, $0xA;
	s2 =	sadd.s32 s3, s2  }
0x8d: {  	s2 =	sadd.s32 s2, s17  }
0x8e: {  	[smem:$0x3FBC] =	sst s2  }
0x8f: {  	_ = 	snop  }
0x90: {  	s2 =	sld [smem:$0x3FD0];
	(tm) =	ssettm $0x1  }
0x91: {  	s18 =	sld [smem:$0x3FFB];
	_ =	sdelay $0x3  }
0x92: {  	_ =	strace s18  }
0x93: {  	s3 =	sld [smem:$0x3FFC];
	_ =	sdelay $0x3  }
0x94: {  	_ =	strace s3  }
0x95: {  	s3 =	sld [smem:$0x3FFD];
	_ =	sdelay $0x3  }
0x96: {  	_ =	strace s3  }
0x97: {  	_ =	strace $0x8FFFFFFF  }
0x98: {  	s19 =	sld [smem:$0x3FDB];
	_ =	sdelay $0x1  }
0x99: {  	s4 =	simm.s32 $_scs_section_size  }
0x9a: {  	s5 =	simm.s32 $_size__tile_overlayer_lowered;
	s6 =	simm.s32 $_tile_overlayer_lowered  }
0x9b: {  	s22 =	simm.s32 $0x1BFF;
	s21 =	sshll.u32 s6, $0x1;
	s3 =	sadd.s32 s4, s19  }
0x9c: {  	s7 =	simm.s32 $0x0;
	s20 =	sshll.u32 s5, $0x1;
	s5 =	sadd.s32 s21, s3  }
0x9d: {  	[timem:s7], [sflag:s22] =	dma.local [hbm:s5], s20  }
0x9e: {  	_ =	swait.ge [sflag:s22], s20  }
0x9f: {  	s4 =	ssub.s32 $0x0, s20;
	[sflag:s22] =	ssyncset.done $0x0  }
0xa0: {  	[sflag:s22] =	ssyncadd.s32 s4;
	_ =	sdelay $0x1  }
0xa1: {  	s23 =	simm.s32 $0x1B8B  }
0xa2: {  	_ =	swait.ge [sflag:s23], $0x1  }
0xa3: {  	[sflag:s23] =	ssyncset.done $0x0  }
0xa4: {  	s25 =	simm.s32 $0x1B8E;
	s24 =	sld [smem:$0x3FFE];
	[sflag:s23] =	ssyncadd.s32 $0xFFFFFFFF  }
0xa5: {  	s26 =	simm.s32 $execute0_lowered;
	[smem:$0x3FD2] =	sst s25  }
0xa6: {  	s5 =	sshll.u32 s26, $0x1;
	_ =	strace $0x8000004C;
	[dreg:$0x1] =	wrdreg $0xFFFFFFFF  }
0xa7: {  	s28 =	simm.s32 $_size_execute0_lowered;
	s3 =	sadd.s32 s3, s5;
	[dreg:$0x0] =	wrdreg $0x0  }
0xa8: {  	s5 =	sshll.u32 s28, $0x1;
	[dreg:$0x2] =	wrdreg s3  }
0xa9: {  	[dreg:$0x3] =	wrdreg s5  }
0xaa: {  	[dreg:$0x4] =	wrdreg $0xC0  }
0xab: {  	_ =	task [dreg:s7], $0x5FFFF  }
0xac: {  	[dreg:$0x1] =	wrdreg $0xFFFFFFFF  }
0xad: {  	[dreg:$0x0] =	wrdreg $0x60  }
0xae: {  	[dreg:$0x2] =	wrdreg s24  }
0xaf: {  	[dreg:$0x3] =	wrdreg s2  }
0xb0: {  	[dreg:$0x4] =	wrdreg $0xD0800  }
0xb1: {  	[dreg:$0x5] =	wrdreg $0x9  }
0xb2: {  	_ =	task.clear_ibuf [dreg:s7], $0x6FFFF;
	_ =	strace $0x9000004C  }
0xb3: {  	s29 =	simm.s32 $0x9;
	_ =	strace $0x8000004E  }
0xb4: {  	_ =	swait.ge [sflag:s29], $0x1  }
0xb5: {  	[sflag:s29] =	ssyncadd.s32 $0xFFFFFFFF  }
0xb6: {  	_ =	strace $0x9000004E  }
0xb7: {  	_ =	sfence  }
0xb8: {  	s30 =	sld [smem:$0x0];
	_ =	sdelay $0x2  }
0xb9: {  	s31 =	sshll.u32 s1, $0xD;
	s1 =	sshrl.u32 s1, $0x2  }
0xba: {  	s3 =	sand.u32 $0x4000, s31;
	s1 =	sadd.s32 s1, s30  }
0xbb: {  	s0 =	sor.u32 s3, s0;
	s1 =	sshll.u32 s1, $0x11  }
0xbc: {  	s0 =	sor.u32 s1, s0  }
0xbd: {  	s0 =	sadd.s32 $0x8F2B, s0  }
0xbe: {  	[sflag:s0] =	ssyncadd.remote.s32 $0x1  }
0xbf: {  	_ =	sfence.sel $0xFFFF  }
0xc0: {  	[dreg:$0x0] =	wrdreg $0xFFFFFFFF;
	(pc) =	sbr.abs _section_cstart, $3  }
0xc1: {  	[dreg:$0x1] =	wrdreg $0xFFFFFFFF  }
0xc2: {  	_ =	task.clear_ibuf [dreg:s7], $0x2FFFF;
	_ =	strace $0x9FFFFFFF  }
0xc3: {  	(tm) =	ssettm $0x7FFFFFFF  }
tec
execute0_lowered:
.L_overlay_start_1:
0x0: {  	(tag) =	ssettag $0x1  }
0x1: {  	s5 =	rddreg [dreg:$0x0]  }
0x2: {  	s9 =	rddreg [dreg:$0x1];
	s1 =	srdreg.scid  }
0x3: {  	s0 =	stileid.u32;
	s2 =	rddreg [dreg:$0x2]  }
0x4: {  	s3 =	simm.s32 $0x0;
	s13 =	simm.s32 $0x5000;
	s14 =	simm.s32 $0x2800  }
0x5: {  	s15 =	simm.s32 $0x80;
	s16 =	simm.s32 $0xC880;
	s17 =	simm.s32 $0xC800  }
0x6: {  	s18 =	simm.s32 $0x0;
	s4 =	sand.u32 $0x1, s1;
	s1 =	rddreg [dreg:$0x3]  }
0x7: {  	s6 =	sshll.u32 s0, $0x1;
	[smem:$0x7FF] =	sst s3;
	s7 =	smul.u32 $0x780, s0  }
0x8: {  	s6 =	sor.u32 s4, s6;
	s30 =	ssub.s32 $0x2, s4;
	s10 =	smul.u32 $0x7800, s4  }
0x9: {  	_ =	strace $0x8000004D;
	s6 =	smul.u32 $0x500, s6;
	s12 =	sshrl.u32 s30, $0x1  }
0xa: {  	s4 =	sadd.s32 $0x2A00, s5;
	s11 =	sshrl.u32 s7, $0x3;
	s31 =	ssub.s32 s30, s12  }
0xb: {  	s10 =	sadd.s32 s7, s10;
	s12 =	simm.s32 $0x1;
	s8 =	sadd.s32 s6, s5  }
0xc: {  	s5 =	sadd.s32 s11, s5;
	s6 =	sadd.s32 s7, s2;
	s10 =	sshrl.u32 s10, $0x3  }
0xd: {  	s11 =	simm.s32 $0xC900;
	s5 =	sadd.s32 $0x3A00, s5;
	s7 =	sadd.s32 $0x2BC00, s8  }
0xe: {  	s8 =	sadd.s32 $0xCA00, s8;
	s9 =	sadd.s32 s9, s10;
	s10 =	smax.u32 s31, $0x1  }
.LBB2_1:
0xf: {  	[tilespmem:s11], [sflag:$0x1] =	stream.linear.gather [hbm4b:s5+s3], $0x780, $0x38;
	[tilespmem:$0xD800] =	vst v63  }
0x10: {  	_ =	swait.ge [sflag:s12], $0x780  }
0x11: {  	[sflag:s12] =	ssyncset.done $0x0  }
0x12: {  	[sflag:s12] =	ssyncadd.s32 $0xFFFFF880  }
0x13: {  	[spmem:s6] =	stream.linear.scatter [tilespmem:s11], [sflag:$0x1], $0x780, $0x38;
	[tilespmem:$0xD800] =	vst v63  }
0x14: {  	_ =	swait.ge [sflag:s12], $0x780  }
0x15: {  	[sflag:s12] =	ssyncset.done $0x0  }
0x16: {  	[sflag:s12] =	ssyncadd.s32 $0xFFFFF880  }
0x17: {  	[tilespmem:s13], [sflag:$0x1] =	stream.linear.gather [hbm4b:s4+s3], $0x7800, $0x38;
	[tilespmem:$0xD800] =	vst v63  }
0x18: {  	_ =	swait.ge [sflag:s12], $0x7800  }
0x19: {  	[sflag:s12] =	ssyncset.done $0x0  }
0x1a: {  	[sflag:s12] =	ssyncadd.s32 $0xFFFF8800  }
0x1b: {  	[tilespmem:s3], [sflag:$0x1] =	stream.linear.gather [hbm4b:s7+s3], $0x2800, $0x38;
	[tilespmem:$0xD800] =	vst v63  }
0x1c: {  	_ =	swait.ge [sflag:s12], $0x2800  }
0x1d: {  	[sflag:s12] =	ssyncset.done $0x0  }
0x1e: {  	[sflag:s12] =	ssyncadd.s32 $0xFFFFD800  }
0x1f: {  	[tilespmem:s14], [sflag:$0x1] =	stream.linear.gather [hbm4b:s8+s3], $0x2800, $0x38;
	[tilespmem:$0xD800] =	vst v63  }
0x20: {  	_ =	swait.ge [sflag:s12], $0x2800  }
0x21: {  	[sflag:s12] =	ssyncset.done $0x0  }
0x22: {  	[sflag:s12] =	ssyncadd.s32 $0xFFFFD800  }
0x23: {  	s20 =	simm.s32 $0x0;
	[bflag:$0x0] =	sbarrier.arrive $0xFFFF  }
.LBB2_2:
0x24: {  	s19 =	sshra.s32 s20, $0x2  }
0x25: {  	v0 =	vld [tilespmem:s19+$0x0];
	_ =	sdelay $0x7  }
0x26: {  	v0 =	vld.idx.msk [tilespmem:v0+s13+$0x0], $0xffff;
	_ =	sdelay $0x4  }
0x27: {  	[tilespmem:$0xC800] =	vst v0  }
0x28: {  	v0 =	vld [tilespmem:s19+$0x2800];
	_ =	sdelay $0x4  }
0x29: {  	[tilespmem:$0xC880] =	vst v0  }
0x2a: {  	v0 =	vld [tilespmem:s19+$0x10];
	_ =	sdelay $0x7  }
0x2b: {  	v0 =	vld.idx.msk [tilespmem:v0+s13+$0x0], $0xffff;
	_ =	sdelay $0x4  }
0x2c: {  	[tilespmem:$0xC810] =	vst v0  }
0x2d: {  	v0 =	vld [tilespmem:s19+$0x2810];
	_ =	sdelay $0x4  }
0x2e: {  	[tilespmem:$0xC890] =	vst v0  }
0x2f: {  	v0 =	vld [tilespmem:s19+$0x20];
	_ =	sdelay $0x7  }
0x30: {  	v0 =	vld.idx.msk [tilespmem:v0+s13+$0x0], $0xffff;
	_ =	sdelay $0x4  }
0x31: {  	[tilespmem:$0xC820] =	vst v0  }
0x32: {  	v0 =	vld [tilespmem:s19+$0x2820];
	_ =	sdelay $0x4  }
0x33: {  	[tilespmem:$0xC8A0] =	vst v0  }
0x34: {  	v0 =	vld [tilespmem:s19+$0x30];
	_ =	sdelay $0x7  }
0x35: {  	v0 =	vld.idx.msk [tilespmem:v0+s13+$0x0], $0xffff;
	_ =	sdelay $0x4  }
0x36: {  	[tilespmem:$0xC830] =	vst v0  }
0x37: {  	v0 =	vld [tilespmem:s19+$0x2830];
	_ =	sdelay $0x4  }
0x38: {  	[tilespmem:$0xC8B0] =	vst v0  }
0x39: {  	v0 =	vld [tilespmem:s19+$0x40];
	_ =	sdelay $0x7  }
0x3a: {  	v0 =	vld.idx.msk [tilespmem:v0+s13+$0x0], $0xffff;
	_ =	sdelay $0x4  }
0x3b: {  	[tilespmem:$0xC840] =	vst v0  }
0x3c: {  	v0 =	vld [tilespmem:s19+$0x2840];
	_ =	sdelay $0x4  }
0x3d: {  	[tilespmem:$0xC8C0] =	vst v0  }
0x3e: {  	v0 =	vld [tilespmem:s19+$0x50];
	_ =	sdelay $0x7  }
0x3f: {  	v0 =	vld.idx.msk [tilespmem:v0+s13+$0x0], $0xffff;
	_ =	sdelay $0x4  }
0x40: {  	[tilespmem:$0xC850] =	vst v0  }
0x41: {  	v0 =	vld [tilespmem:s19+$0x2850];
	_ =	sdelay $0x4  }
0x42: {  	[tilespmem:$0xC8D0] =	vst v0  }
0x43: {  	v0 =	vld [tilespmem:s19+$0x60];
	_ =	sdelay $0x7  }
0x44: {  	v0 =	vld.idx.msk [tilespmem:v0+s13+$0x0], $0xffff;
	_ =	sdelay $0x4  }
0x45: {  	[tilespmem:$0xC860] =	vst v0  }
0x46: {  	v0 =	vld [tilespmem:s19+$0x2860];
	_ =	sdelay $0x4  }
0x47: {  	[tilespmem:$0xC8E0] =	vst v0  }
0x48: {  	v0 =	vld [tilespmem:s19+$0x70];
	_ =	sdelay $0x7  }
0x49: {  	v0 =	vld.idx.msk [tilespmem:v0+s13+$0x0], $0xffff;
	_ =	sdelay $0x4  }
0x4a: {  	[tilespmem:$0xC870] =	vst v0  }
0x4b: {  	v0 =	vld [tilespmem:s19+$0x2870];
	_ =	sdelay $0x3  }
0x4c: {  	p0 =	sne.s32 s20, $0x9E00  }
.Ltmp0:
0x4d: {  	[tilespmem:$0xC8F0] =	vst v0;
	(pc) =	sbr.rel @p0 .LBB2_2-.Ltmp0, $4  }
0x4e: {  	[spmem:s2] =	stream.indirect.scatter.add.f32 [tilespmem:s17], [sflag:$0x1], $0x1, s16, s15, $0xb8;
	[tilespmem:$0xD800] =	vst v63  }
0x4f: {  	_ =	swait.ge [sflag:s12], $0x80  }
0x50: {  	[sflag:s12] =	ssyncset.done $0x0  }
0x51: {  	s20 =	sadd.s32 $0x200, s20;
	s19 =	simm.s32 $0x0;
	[sflag:s12] =	ssyncadd.s32 $0xFFFFFF80  }
0x52: {  	s20 =	simm.s32 $0x0  }
.LBB2_4:
0x53: {  	s21 =	sshra.s32 s20, $0x2  }
0x54: {  	v0 =	vld [tilespmem:s21+$0x0];
	_ =	sdelay $0x4  }
0x55: {  	v0 =	vadd.s32 $0x2800, v0;
	_ =	sdelay $0x4  }
0x56: {  	v0 =	vld.idx.msk [tilespmem:v0+s13+$0x0], $0xffff;
	_ =	sdelay $0x4  }
0x57: {  	[tilespmem:$0xC800] =	vst v0  }
0x58: {  	v0 =	vld [tilespmem:s21+$0x2800];
	_ =	sdelay $0x4  }
0x59: {  	v0 =	vadd.s32 $0x2800, v0  }
0x5a: {  	[tilespmem:$0xC880] =	vst v0  }
0x5b: {  	v0 =	vld [tilespmem:s21+$0x10];
	_ =	sdelay $0x4  }
0x5c: {  	v0 =	vadd.s32 $0x2800, v0;
	_ =	sdelay $0x4  }
0x5d: {  	v0 =	vld.idx.msk [tilespmem:v0+s13+$0x0], $0xffff;
	_ =	sdelay $0x4  }
0x5e: {  	[tilespmem:$0xC810] =	vst v0  }
0x5f: {  	v0 =	vld [tilespmem:s21+$0x2810];
	_ =	sdelay $0x4  }
0x60: {  	v0 =	vadd.s32 $0x2800, v0  }
0x61: {  	[tilespmem:$0xC890] =	vst v0  }
0x62: {  	v0 =	vld [tilespmem:s21+$0x20];
	_ =	sdelay $0x4  }
0x63: {  	v0 =	vadd.s32 $0x2800, v0;
	_ =	sdelay $0x4  }
0x64: {  	v0 =	vld.idx.msk [tilespmem:v0+s13+$0x0], $0xffff;
	_ =	sdelay $0x4  }
0x65: {  	[tilespmem:$0xC820] =	vst v0  }
0x66: {  	v0 =	vld [tilespmem:s21+$0x2820];
	_ =	sdelay $0x4  }
0x67: {  	v0 =	vadd.s32 $0x2800, v0  }
0x68: {  	[tilespmem:$0xC8A0] =	vst v0  }
0x69: {  	v0 =	vld [tilespmem:s21+$0x30];
	_ =	sdelay $0x4  }
0x6a: {  	v0 =	vadd.s32 $0x2800, v0;
	_ =	sdelay $0x4  }
0x6b: {  	v0 =	vld.idx.msk [tilespmem:v0+s13+$0x0], $0xffff;
	_ =	sdelay $0x4  }
0x6c: {  	[tilespmem:$0xC830] =	vst v0  }
0x6d: {  	v0 =	vld [tilespmem:s21+$0x2830];
	_ =	sdelay $0x4  }
0x6e: {  	v0 =	vadd.s32 $0x2800, v0  }
0x6f: {  	[tilespmem:$0xC8B0] =	vst v0  }
0x70: {  	v0 =	vld [tilespmem:s21+$0x40];
	_ =	sdelay $0x4  }
0x71: {  	v0 =	vadd.s32 $0x2800, v0;
	_ =	sdelay $0x4  }
0x72: {  	v0 =	vld.idx.msk [tilespmem:v0+s13+$0x0], $0xffff;
	_ =	sdelay $0x4  }
0x73: {  	[tilespmem:$0xC840] =	vst v0  }
0x74: {  	v0 =	vld [tilespmem:s21+$0x2840];
	_ =	sdelay $0x4  }
0x75: {  	v0 =	vadd.s32 $0x2800, v0  }
0x76: {  	[tilespmem:$0xC8C0] =	vst v0  }
0x77: {  	v0 =	vld [tilespmem:s21+$0x50];
	_ =	sdelay $0x4  }
0x78: {  	v0 =	vadd.s32 $0x2800, v0;
	_ =	sdelay $0x4  }
0x79: {  	v0 =	vld.idx.msk [tilespmem:v0+s13+$0x0], $0xffff;
	_ =	sdelay $0x4  }
0x7a: {  	[tilespmem:$0xC850] =	vst v0  }
0x7b: {  	v0 =	vld [tilespmem:s21+$0x2850];
	_ =	sdelay $0x4  }
0x7c: {  	v0 =	vadd.s32 $0x2800, v0  }
0x7d: {  	[tilespmem:$0xC8D0] =	vst v0  }
0x7e: {  	v0 =	vld [tilespmem:s21+$0x60];
	_ =	sdelay $0x4  }
0x7f: {  	v0 =	vadd.s32 $0x2800, v0;
	_ =	sdelay $0x4  }
0x80: {  	v0 =	vld.idx.msk [tilespmem:v0+s13+$0x0], $0xffff;
	_ =	sdelay $0x4  }
0x81: {  	[tilespmem:$0xC860] =	vst v0  }
0x82: {  	v0 =	vld [tilespmem:s21+$0x2860];
	_ =	sdelay $0x4  }
0x83: {  	v0 =	vadd.s32 $0x2800, v0  }
0x84: {  	[tilespmem:$0xC8E0] =	vst v0  }
0x85: {  	v0 =	vld [tilespmem:s21+$0x70];
	_ =	sdelay $0x4  }
0x86: {  	v0 =	vadd.s32 $0x2800, v0;
	_ =	sdelay $0x4  }
0x87: {  	v0 =	vld.idx.msk [tilespmem:v0+s13+$0x0], $0xffff;
	_ =	sdelay $0x4  }
0x88: {  	[tilespmem:$0xC870] =	vst v0  }
0x89: {  	v0 =	vld [tilespmem:s21+$0x2870];
	_ =	sdelay $0x4  }
0x8a: {  	p0 =	sne.s32 s20, $0x9E00;
	v0 =	vadd.s32 $0x2800, v0  }
.Ltmp1:
0x8b: {  	[tilespmem:$0xC8F0] =	vst v0;
	(pc) =	sbr.rel @p0 .LBB2_4-.Ltmp1, $4  }
0x8c: {  	[spmem:s2] =	stream.indirect.scatter.add.f32 [tilespmem:s17], [sflag:$0x1], $0x1, s16, s15, $0xb8;
	[tilespmem:$0xD800] =	vst v63  }
0x8d: {  	_ =	swait.ge [sflag:s12], $0x80  }
0x8e: {  	[sflag:s12] =	ssyncset.done $0x0  }
0x8f: {  	s20 =	sadd.s32 $0x200, s20;
	[sflag:s12] =	ssyncadd.s32 $0xFFFFFF80  }
.LBB2_5:
0x90: {  	s20 =	sshra.s32 s19, $0x2  }
0x91: {  	v0 =	vld [tilespmem:s20+$0x0];
	_ =	sdelay $0x4  }
0x92: {  	v0 =	vadd.s32 $0x5000, v0;
	_ =	sdelay $0x4  }
0x93: {  	v0 =	vld.idx.msk [tilespmem:v0+s13+$0x0], $0xffff;
	_ =	sdelay $0x4  }
0x94: {  	[tilespmem:$0xC800] =	vst v0  }
0x95: {  	v0 =	vld [tilespmem:s20+$0x2800];
	_ =	sdelay $0x4  }
0x96: {  	v0 =	vadd.s32 $0x5000, v0  }
0x97: {  	[tilespmem:$0xC880] =	vst v0  }
0x98: {  	v0 =	vld [tilespmem:s20+$0x10];
	_ =	sdelay $0x4  }
0x99: {  	v0 =	vadd.s32 $0x5000, v0;
	_ =	sdelay $0x4  }
0x9a: {  	v0 =	vld.idx.msk [tilespmem:v0+s13+$0x0], $0xffff;
	_ =	sdelay $0x4  }
0x9b: {  	[tilespmem:$0xC810] =	vst v0  }
0x9c: {  	v0 =	vld [tilespmem:s20+$0x2810];
	_ =	sdelay $0x4  }
0x9d: {  	v0 =	vadd.s32 $0x5000, v0  }
0x9e: {  	[tilespmem:$0xC890] =	vst v0  }
0x9f: {  	v0 =	vld [tilespmem:s20+$0x20];
	_ =	sdelay $0x4  }
0xa0: {  	v0 =	vadd.s32 $0x5000, v0;
	_ =	sdelay $0x4  }
0xa1: {  	v0 =	vld.idx.msk [tilespmem:v0+s13+$0x0], $0xffff;
	_ =	sdelay $0x4  }
0xa2: {  	[tilespmem:$0xC820] =	vst v0  }
0xa3: {  	v0 =	vld [tilespmem:s20+$0x2820];
	_ =	sdelay $0x4  }
0xa4: {  	v0 =	vadd.s32 $0x5000, v0  }
0xa5: {  	[tilespmem:$0xC8A0] =	vst v0  }
0xa6: {  	v0 =	vld [tilespmem:s20+$0x30];
	_ =	sdelay $0x4  }
0xa7: {  	v0 =	vadd.s32 $0x5000, v0;
	_ =	sdelay $0x4  }
0xa8: {  	v0 =	vld.idx.msk [tilespmem:v0+s13+$0x0], $0xffff;
	_ =	sdelay $0x4  }
0xa9: {  	[tilespmem:$0xC830] =	vst v0  }
0xaa: {  	v0 =	vld [tilespmem:s20+$0x2830];
	_ =	sdelay $0x4  }
0xab: {  	v0 =	vadd.s32 $0x5000, v0  }
0xac: {  	[tilespmem:$0xC8B0] =	vst v0  }
0xad: {  	v0 =	vld [tilespmem:s20+$0x40];
	_ =	sdelay $0x4  }
0xae: {  	v0 =	vadd.s32 $0x5000, v0;
	_ =	sdelay $0x4  }
0xaf: {  	v0 =	vld.idx.msk [tilespmem:v0+s13+$0x0], $0xffff;
	_ =	sdelay $0x4  }
0xb0: {  	[tilespmem:$0xC840] =	vst v0  }
0xb1: {  	v0 =	vld [tilespmem:s20+$0x2840];
	_ =	sdelay $0x4  }
0xb2: {  	v0 =	vadd.s32 $0x5000, v0  }
0xb3: {  	[tilespmem:$0xC8C0] =	vst v0  }
0xb4: {  	v0 =	vld [tilespmem:s20+$0x50];
	_ =	sdelay $0x4  }
0xb5: {  	v0 =	vadd.s32 $0x5000, v0;
	_ =	sdelay $0x4  }
0xb6: {  	v0 =	vld.idx.msk [tilespmem:v0+s13+$0x0], $0xffff;
	_ =	sdelay $0x4  }
0xb7: {  	[tilespmem:$0xC850] =	vst v0  }
0xb8: {  	v0 =	vld [tilespmem:s20+$0x2850];
	_ =	sdelay $0x4  }
0xb9: {  	v0 =	vadd.s32 $0x5000, v0  }
0xba: {  	[tilespmem:$0xC8D0] =	vst v0  }
0xbb: {  	v0 =	vld [tilespmem:s20+$0x60];
	_ =	sdelay $0x4  }
0xbc: {  	v0 =	vadd.s32 $0x5000, v0;
	_ =	sdelay $0x4  }
0xbd: {  	v0 =	vld.idx.msk [tilespmem:v0+s13+$0x0], $0xffff;
	_ =	sdelay $0x4  }
0xbe: {  	[tilespmem:$0xC860] =	vst v0  }
0xbf: {  	v0 =	vld [tilespmem:s20+$0x2860];
	_ =	sdelay $0x4  }
0xc0: {  	v0 =	vadd.s32 $0x5000, v0  }
0xc1: {  	[tilespmem:$0xC8E0] =	vst v0  }
0xc2: {  	v0 =	vld [tilespmem:s20+$0x70];
	_ =	sdelay $0x4  }
0xc3: {  	v0 =	vadd.s32 $0x5000, v0;
	_ =	sdelay $0x4  }
0xc4: {  	v0 =	vld.idx.msk [tilespmem:v0+s13+$0x0], $0xffff;
	_ =	sdelay $0x4  }
0xc5: {  	[tilespmem:$0xC870] =	vst v0  }
0xc6: {  	v0 =	vld [tilespmem:s20+$0x2870];
	_ =	sdelay $0x4  }
0xc7: {  	p0 =	sne.s32 s19, $0x9E00;
	v0 =	vadd.s32 $0x5000, v0  }
.Ltmp2:
0xc8: {  	[tilespmem:$0xC8F0] =	vst v0;
	(pc) =	sbr.rel @p0 .LBB2_5-.Ltmp2, $4  }
0xc9: {  	[spmem:s2] =	stream.indirect.scatter.add.f32 [tilespmem:s17], [sflag:$0x1], $0x1, s16, s15, $0xb8;
	[tilespmem:$0xD800] =	vst v63  }
0xca: {  	_ =	swait.ge [sflag:s12], $0x80  }
0xcb: {  	[sflag:s12] =	ssyncset.done $0x0  }
0xcc: {  	s19 =	sadd.s32 $0x200, s19;
	[sflag:s12] =	ssyncadd.s32 $0xFFFFFF80  }
0xcd: {  	[bflag:$0x0] =	sbarrier.arrive $0xFFFF  }
0xce: {  	[tilespmem:s11], [sflag:$0x1] =	stream.linear.gather [spmem:s6], $0x780, $0x38;
	[tilespmem:$0xD800] =	vst v63  }
0xcf: {  	s18 =	sadd.s32 $0x1, s18;
	_ =	swait.ge [sflag:s12], $0x780  }
0xd0: {  	p0 =	sne.s32 s18, s10;
	[sflag:s12] =	ssyncset.done $0x0  }
.Ltmp3:
0xd1: {  	[sflag:s12] =	ssyncadd.s32 $0xFFFFF880;
	(pc) =	sbr.rel @p0 .LBB2_1-.Ltmp3, $4  }
0xd2: {  	[hbm4b:s9+s3] =	stream.linear.scatter [tilespmem:s11], [sflag:$0x1], $0x780, $0x38;
	[tilespmem:$0xD800] =	vst v63  }
0xd3: {  	_ =	swait.ge [sflag:s12], $0x780  }
0xd4: {  	[sflag:s12] =	ssyncset.done $0x0  }
0xd5: {  	[sflag:s12] =	ssyncadd.s32 $0xFFFFF880  }
0xd6: {  	_ =	sfence.sel $0x180000  }
0xd7: {  	[bflag:$0x0] =	sbarrier.arrive $0xFFFF  }
0xd8: {  	p0 =	sne.s32 s0, $0x0;
	_ =	strace $0x9000004D  }
0xd9: {  	s0 =	sadd.s32 @!p0 $0x100000, s1;
	[bflag:$0x2] =	sbarrier.arrive $0xFFFF  }
0xda: {  	[sflag:s0] =	ssyncadd.tile.s32 @!p0 $0x1;
	_ =	shalt  }
.Lfunc_end2:
_tile_overlayer_lowered:
.L_overlay_start_2:
0xdb: {  	(tag) =	ssettag $0x2  }
0xdc: {  	s0 =	rddreg [dreg:$0x0];
	s2 =	stileid.u32  }
0xdd: {  	s1 =	rddreg [dreg:$0x1];
	p0 =	sne.s32 s2, $0x0  }
0xde: {  	s3 =	rddreg [dreg:$0x2];
	[bflag:$0x3] =	sbarrier.arrive $0xFFFF;
	s2 =	simm.s32 @!p0 $0x1C01  }
0xdf: {  	[timem:s3], [sflag:s2] =	dma.local @!p0 [hbm:s0], s1  }
0xe0: {  	s0 =	simm.s32 @!p0 $0x1  }
0xe1: {  	_ =	swait.ge @!p0 [sflag:s0], s1  }
0xe2: {  	s1 =	ssub.s32 @!p0 $0x0, s1;
	[sflag:s0] =	ssyncset.done @!p0 $0x0  }
0xe3: {  	[sflag:s0] =	ssyncadd.s32 @!p0 s1  }
0xe4: {  	[bflag:$0x3] =	sbarrier.arrive $0xFFFF  }
0xe5: {  	_ =	shalt  }

// kernel: kernel.8.cloned.1.call-start
scs
__scs_entry_jumppad:
0x0: {  	(pc) =	sbr.rel $0x88, $3  }
0x1: {  	(tag) =	ssettag $0x0;
	lr =	simm.s32 $0x1  }
0x2: {  	[smem:$0x3F95] =	sst lr;
	_ =	strace $0xD0000000  }
0x3: {  	_ = 	snop  }
0x4: {  	_ = 	snop  }
0x5: {  	_ = 	snop  }
0x6: {  	_ = 	snop  }
0x7: {  	_ = 	snop  }
__scs_overlays_trampoline_lowered:
0x8: {  	[smem:$0x3FA4] =	sst s0  }
0x9: {  	[smem:$0x3FA5] =	sst s1  }
0xa: {  	[smem:$0x3FA6] =	sst s2  }
0xb: {  	[smem:$0x3FA7] =	sst s3  }
0xc: {  	[smem:$0x3FA8] =	sst s4  }
0xd: {  	[smem:$0x3FA9] =	sst s5  }
0xe: {  	[smem:$0x3FAA] =	sst s6  }
0xf: {  	[smem:$0x3FAB] =	sst s7  }
0x10: {  	[smem:$0x3FAC] =	sst s8  }
0x11: {  	[smem:$0x3FAD] =	sst s9;
	s0 =	simm.s32 @!p0 $0x0  }
0x12: {  	s1 =	sld [smem:$0x3F93];
	s0 =	simm.s32 @p0 $0x1  }
0x13: {  	[smem:$0x3FAE] =	sst s0;
	s0 =	simm.s32 @!p1 $0x0  }
0x14: {  	s2 =	sld [smem:$0x3F92];
	s0 =	simm.s32 @p1 $0x1  }
0x15: {  	[smem:$0x3FAF] =	sst s0;
	s0 =	simm.s32 @!p2 $0x0  }
0x16: {  	s3 =	sld [smem:$0x3FDB];
	s0 =	simm.s32 @p2 $0x1  }
0x17: {  	s4 =	simm.s32 $0x1BF5;
	[smem:$0x3FB1] =	sst s0  }
0x18: {  	s0 =	sld [smem:$0x3F94];
	_ =	swait.ge [sflag:s4], $0x0  }
0x19: {  	s7 =	sld [smem:$0x3F95]  }
0x1a: {  	s8 =	sadd.s32 $0xFFFFE003, lr  }
0x1b: {  	s9 =	sadd.s32 $0xFFFFFEF7, lr;
	s5 =	simm.s32 $0xFFFFFFFF;
	p2 =	slt.u32 s8, $0xFFFFF086  }
0x1c: {  	p1 =	slt.u32 s9, $0xF7A;
	s5 =	simm.s32 @!p2 $0x0  }
0x1d: {  	s5 =	simm.s32 @p1 $0x1;
	p0 =	seq.s32 s7, s2  }
0x1e: {  	s7 =	smul.u32 @!p0 $0xF7A, s2;
	p2 =	seq.s32 @!p0 s5, $0x0  }
0x1f: {  	s9 =	smul.u32 $0xF7A, s1;
	s8 =	simm.s32 @!p0 $0x1BF5;
	p2 =	por !p2, p0  }
0x20: {  	[sflag:s8] =	ssyncset.s32 @!p0 $0xFFFFF086;
	s6 =	sadd.s32 @!p0 s3, s7;
	s7 =	simm.s32 @!p0 $0x108  }
0x21: {  	s3 =	sadd.s32 s3, s9;
	s6 =	sadd.s32 @!p0 $0x88, s6;
	s7 =	simm.s32 @p2 $0x1082  }
0x22: {  	[simem:s7], [sflag:s8] =	dma.local @!p0 [hbm:s6], $0xF7A  }
0x23: {  	s9 =	sor.u32 $0xD0000000, s2;
	s6 =	simm.s32 $0x108;
	_ =	swait.ge @!p0 [sflag:s8], $0x0  }
0x24: {  	s3 =	sadd.s32 $0x88, s3;
	s6 =	simm.s32 @!p1 $0x1082;
	[sflag:s4] =	ssyncset.s32 $0xFFFFF086  }
0x25: {  	[simem:s6], [sflag:s4] =	dma.local [hbm:s3], $0xF7A  }
0x26: {  	[smem:$0x3F95] =	sst s1;
	(tag) =	ssettag s2;
	_ =	strace s9  }
0x27: {  	s1 =	sld [smem:$0x3FA5]  }
0x28: {  	s2 =	sld [smem:$0x3FA6]  }
0x29: {  	s4 =	sld [smem:$0x3FA8]  }
0x2a: {  	p0 =	seq.s32 s5, $0x0;
	s5 =	sld [smem:$0x3FA9]  }
0x2b: {  	s6 =	sld [smem:$0x3FAA]  }
0x2c: {  	s7 =	sld [smem:$0x3FAB]  }
0x2d: {  	s3 =	simm.s32 $0x108;
	s8 =	sld [smem:$0x3FAC]  }
0x2e: {  	s3 =	simm.s32 @!p0 $0x1082;
	s9 =	sld [smem:$0x3FAD]  }
0x2f: {  	lr =	sadd.s32 s0, s3;
	s0 =	sld [smem:$0x3FA4]  }
0x30: {  	s3 =	sld [smem:$0x3FA7]  }
0x31: {  	[smem:$0x3FB0] =	sst s10  }
0x32: {  	s10 =	sld [smem:$0x3FAE];
	_ =	sdelay $0x3  }
0x33: {  	p0 =	seq.s32 s10, $0x1;
	s10 =	sld [smem:$0x3FB0];
	_ =	sdelay $0x3  }
0x34: {  	[smem:$0x3FB0] =	sst s10  }
0x35: {  	s10 =	sld [smem:$0x3FAF];
	_ =	sdelay $0x3  }
0x36: {  	p1 =	seq.s32 s10, $0x1;
	s10 =	sld [smem:$0x3FB0];
	_ =	sdelay $0x3  }
0x37: {  	[smem:$0x3FB0] =	sst s10  }
0x38: {  	s10 =	sld [smem:$0x3FB1]  }
0x39: {  	_ = 	snop;
	(pc) =	sbr.ind lr, $3  }
0x3a: {  	_ = 	snop  }
0x3b: {  	_ = 	snop  }
0x3c: {  	p2 =	seq.s32 s10, $0x1;
	s10 =	sld [smem:$0x3FB0]  }
0x3d: {  	_ =	shalt  }
0x3e: {  	_ =	shalt  }
0x3f: {  	_ =	shalt  }
0x40: {  	_ =	shalt  }
0x41: {  	_ =	shalt  }
0x42: {  	_ =	shalt  }
0x43: {  	_ =	shalt  }
0x44: {  	_ =	shalt  }
0x45: {  	_ =	shalt  }
0x46: {  	_ =	shalt  }
0x47: {  	_ =	shalt  }
0x48: {  	_ =	shalt  }
0x49: {  	_ =	shalt  }
0x4a: {  	_ =	shalt  }
0x4b: {  	_ =	shalt  }
0x4c: {  	_ =	shalt  }
0x4d: {  	_ =	shalt  }
0x4e: {  	_ =	shalt  }
0x4f: {  	_ =	shalt  }
0x50: {  	_ =	shalt  }
0x51: {  	_ =	shalt  }
0x52: {  	_ =	shalt  }
0x53: {  	_ =	shalt  }
0x54: {  	_ =	shalt  }
0x55: {  	_ =	shalt  }
0x56: {  	_ =	shalt  }
0x57: {  	_ =	shalt  }
0x58: {  	_ =	shalt  }
0x59: {  	_ =	shalt  }
0x5a: {  	_ =	shalt  }
0x5b: {  	_ =	shalt  }
0x5c: {  	_ =	shalt  }
0x5d: {  	_ =	shalt  }
0x5e: {  	_ =	shalt  }
0x5f: {  	_ =	shalt  }
0x60: {  	_ =	shalt  }
0x61: {  	_ =	shalt  }
0x62: {  	_ =	shalt  }
0x63: {  	_ =	shalt  }
0x64: {  	_ =	shalt  }
0x65: {  	_ =	shalt  }
0x66: {  	_ =	shalt  }
0x67: {  	_ =	shalt  }
0x68: {  	_ =	shalt  }
0x69: {  	_ =	shalt  }
0x6a: {  	_ =	shalt  }
0x6b: {  	_ =	shalt  }
0x6c: {  	_ =	shalt  }
0x6d: {  	_ =	shalt  }
0x6e: {  	_ =	shalt  }
0x6f: {  	_ =	shalt  }
0x70: {  	_ =	shalt  }
0x71: {  	_ =	shalt  }
0x72: {  	_ =	shalt  }
0x73: {  	_ =	shalt  }
0x74: {  	_ =	shalt  }
0x75: {  	_ =	shalt  }
0x76: {  	_ =	shalt  }
0x77: {  	_ =	shalt  }
0x78: {  	_ =	shalt  }
0x79: {  	_ =	shalt  }
0x7a: {  	_ =	shalt  }
0x7b: {  	_ =	shalt  }
0x7c: {  	_ =	shalt  }
0x7d: {  	_ =	shalt  }
0x7e: {  	_ =	shalt  }
0x7f: {  	_ =	shalt  }
0x80: {  	_ =	shalt  }
0x81: {  	_ =	shalt  }
0x82: {  	_ =	shalt  }
0x83: {  	_ =	shalt  }
0x84: {  	_ =	shalt  }
0x85: {  	_ =	shalt  }
0x86: {  	_ =	shalt  }
0x87: {  	_ =	shalt  }
.Lfunc_end0:
.L_simem_size_0:
called_computation_lowered:
.L_overlay_start_0:
0x88: {  	s2 =	sld [smem:$0x3FD9]  }
0x89: {  	s3 =	sld [smem:$0x3FFE];
	_ =	sdelay $0x1  }
0x8a: {  	s1 =	srdreg.scid  }
0x8b: {  	s0 =	sand.u32 $0x1, s1  }
0x8c: {  	s16 =	sshll.u32 s0, $0xA;
	s2 =	sadd.s32 s3, s2  }
0x8d: {  	s2 =	sadd.s32 s2, s16  }
0x8e: {  	[smem:$0x3FBC] =	sst s2  }
0x8f: {  	_ = 	snop  }
0x90: {  	(tm) =	ssettm $0x1  }
0x91: {  	s17 =	sld [smem:$0x3FFB];
	_ =	sdelay $0x3  }
0x92: {  	_ =	strace s17  }
0x93: {  	s2 =	sld [smem:$0x3FFC];
	_ =	sdelay $0x3  }
0x94: {  	_ =	strace s2  }
0x95: {  	s2 =	sld [smem:$0x3FFD];
	_ =	sdelay $0x3  }
0x96: {  	_ =	strace s2  }
0x97: {  	_ =	strace $0x8FFFFFFF  }
0x98: {  	s18 =	sld [smem:$0x3FDB];
	_ =	sdelay $0x1  }
0x99: {  	s19 =	simm.s32 $_scs_section_size  }
0x9a: {  	s4 =	simm.s32 $_size__tile_overlayer_lowered;
	s5 =	simm.s32 $_tile_overlayer_lowered  }
0x9b: {  	s22 =	simm.s32 $0x1BFF;
	s21 =	sshll.u32 s5, $0x1;
	s2 =	sadd.s32 s19, s18  }
0x9c: {  	s6 =	simm.s32 $0x0;
	s20 =	sshll.u32 s4, $0x1;
	s4 =	sadd.s32 s21, s2  }
0x9d: {  	[timem:s6], [sflag:s22] =	dma.local [hbm:s4], s20  }
0x9e: {  	_ =	swait.ge [sflag:s22], s20  }
0x9f: {  	s3 =	ssub.s32 $0x0, s20;
	[sflag:s22] =	ssyncset.done $0x0  }
0xa0: {  	[sflag:s22] =	ssyncadd.s32 s3;
	_ =	sdelay $0x1  }
0xa1: {  	s23 =	simm.s32 $0x1B8B  }
0xa2: {  	_ =	swait.ge [sflag:s23], $0x1  }
0xa3: {  	[sflag:s23] =	ssyncset.done $0x0  }
0xa4: {  	s25 =	simm.s32 $0x1B8E;
	s24 =	sld [smem:$0x3FFE];
	[sflag:s23] =	ssyncadd.s32 $0xFFFFFFFF  }
0xa5: {  	s26 =	simm.s32 $execute0_lowered;
	[smem:$0x3FD2] =	sst s25  }
0xa6: {  	s4 =	sshll.u32 s26, $0x1;
	_ =	strace $0x80000046;
	[dreg:$0x1] =	wrdreg $0xFFFFFFFF  }
0xa7: {  	s28 =	simm.s32 $_size_execute0_lowered;
	s2 =	sadd.s32 s2, s4;
	[dreg:$0x0] =	wrdreg $0x0  }
0xa8: {  	s4 =	sshll.u32 s28, $0x1;
	[dreg:$0x2] =	wrdreg s2  }
0xa9: {  	[dreg:$0x3] =	wrdreg s4  }
0xaa: {  	[dreg:$0x4] =	wrdreg $0xC0  }
0xab: {  	_ =	task [dreg:s6], $0x5FFFF  }
0xac: {  	[dreg:$0x1] =	wrdreg $0xFFFFFFFF  }
0xad: {  	[dreg:$0x0] =	wrdreg $0x60  }
0xae: {  	[dreg:$0x2] =	wrdreg s24  }
0xaf: {  	[dreg:$0x3] =	wrdreg $0x2B000  }
0xb0: {  	[dreg:$0x4] =	wrdreg $0x9  }
0xb1: {  	_ =	task.clear_ibuf [dreg:s6], $0x5FFFF;
	_ =	strace $0x90000046  }
0xb2: {  	s29 =	simm.s32 $0x9;
	_ =	strace $0x80000048  }
0xb3: {  	_ =	swait.ge [sflag:s29], $0x1  }
0xb4: {  	[sflag:s29] =	ssyncadd.s32 $0xFFFFFFFF  }
0xb5: {  	_ =	strace $0x90000048  }
0xb6: {  	_ =	sfence  }
0xb7: {  	s30 =	sld [smem:$0x0];
	_ =	sdelay $0x2  }
0xb8: {  	s31 =	sshll.u32 s1, $0xD;
	s1 =	sshrl.u32 s1, $0x2  }
0xb9: {  	s3 =	sand.u32 $0x4000, s31;
	s1 =	sadd.s32 s1, s30  }
0xba: {  	s0 =	sor.u32 s3, s0;
	s1 =	sshll.u32 s1, $0x11  }
0xbb: {  	s0 =	sor.u32 s1, s0  }
0xbc: {  	s0 =	sadd.s32 $0x8F2B, s0  }
0xbd: {  	[sflag:s0] =	ssyncadd.remote.s32 $0x1  }
0xbe: {  	_ =	sfence.sel $0xFFFF  }
0xbf: {  	[dreg:$0x0] =	wrdreg $0xFFFFFFFF;
	(pc) =	sbr.abs _section_cstart, $3  }
0xc0: {  	[dreg:$0x1] =	wrdreg $0xFFFFFFFF  }
0xc1: {  	_ =	task.clear_ibuf [dreg:s6], $0x2FFFF;
	_ =	strace $0x9FFFFFFF  }
0xc2: {  	(tm) =	ssettm $0x7FFFFFFF  }
0xc3: {  	_ =	shalt  }
tec
execute0_lowered:
.L_overlay_start_1:
0x0: {  	(tag) =	ssettag $0x1  }
0x1: {  	s1 =	srdreg.scid;
	s6 =	rddreg [dreg:$0x0]  }
0x2: {  	s0 =	stileid.u32;
	s2 =	rddreg [dreg:$0x1]  }
0x3: {  	s3 =	simm.s32 $0x0;
	s12 =	simm.s32 $0x2800;
	s13 =	simm.s32 $0x80  }
0x4: {  	s5 =	sand.u32 $0x1, s1;
	s31 =	sshll.u32 s0, $0x1;
	s7 =	smul.u32 $0x280, s0  }
0x5: {  	s14 =	simm.s32 $0x0;
	s1 =	sor.u32 s5, s31;
	s8 =	smul.u32 $0x2800, s5  }
0x6: {  	[smem:$0x7FF] =	sst s3;
	s5 =	ssub.s32 $0x2, s5;
	s4 =	smul.u32 $0x500, s1  }
0x7: {  	s1 =	rddreg [dreg:$0x2];
	_ =	strace $0x80000047;
	s10 =	sshrl.u32 s7, $0x3  }
0x8: {  	s11 =	sshrl.u32 s5, $0x1;
	s8 =	sadd.s32 s7, s8;
	s10 =	sadd.s32 s10, s6  }
0x9: {  	s11 =	ssub.s32 s5, s11;
	s9 =	sadd.s32 s4, s6;
	s4 =	sadd.s32 $0x17000, s6  }
0xa: {  	s8 =	sshrl.u32 s8, $0x3;
	s5 =	sadd.s32 $0x16A00, s10;
	s10 =	simm.s32 $0x2880  }
0xb: {  	s8 =	sadd.s32 s8, s6;
	s6 =	sadd.s32 s7, s2;
	s7 =	sadd.s32 $0x2A00, s9  }
0xc: {  	s9 =	smax.u32 s11, $0x1;
	s11 =	simm.s32 $0x1;
	s8 =	sadd.s32 $0x17200, s8  }
.LBB2_1:
0xd: {  	[tilespmem:s10], [sflag:$0x1] =	stream.linear.gather [hbm4b:s5+s3], $0x280, $0x38;
	[tilespmem:$0x2D80] =	vst v63  }
0xe: {  	_ =	swait.ge [sflag:s11], $0x280  }
0xf: {  	[sflag:s11] =	ssyncset.done $0x0  }
0x10: {  	[sflag:s11] =	ssyncadd.s32 $0xFFFFFD80  }
0x11: {  	[spmem:s6] =	stream.linear.scatter [tilespmem:s10], [sflag:$0x1], $0x280, $0x38;
	[tilespmem:$0x2D80] =	vst v63  }
0x12: {  	_ =	swait.ge [sflag:s11], $0x280  }
0x13: {  	[sflag:s11] =	ssyncset.done $0x0  }
0x14: {  	[sflag:s11] =	ssyncadd.s32 $0xFFFFFD80  }
0x15: {  	[tilespmem:s12], [sflag:$0x1] =	stream.linear.gather [hbm4b:s4+s3], $0x80, $0x38;
	[tilespmem:$0x2D80] =	vst v63  }
0x16: {  	_ =	swait.ge [sflag:s11], $0x80  }
0x17: {  	[sflag:s11] =	ssyncset.done $0x0  }
0x18: {  	[sflag:s11] =	ssyncadd.s32 $0xFFFFFF80  }
0x19: {  	[tilespmem:s3], [sflag:$0x1] =	stream.linear.gather [hbm4b:s7+s3], $0x2800, $0x38;
	[tilespmem:$0x2D80] =	vst v63  }
0x1a: {  	_ =	swait.ge [sflag:s11], $0x2800  }
0x1b: {  	[sflag:s11] =	ssyncset.done $0x0  }
0x1c: {  	[sflag:s11] =	ssyncadd.s32 $0xFFFFD800  }
0x1d: {  	s15 =	simm.s32 $0x0;
	[bflag:$0x0] =	sbarrier.arrive $0xFFFF  }
0x1e: {  	[spmem:s2] =	stream.indirect.scatter.add.f32 [tilespmem:s12], [sflag:$0x1], $0x1, s15, s13, $0xb8;
	[tilespmem:$0x2D80] =	vst v63  }
0x1f: {  	_ =	swait.ge [sflag:s11], $0x80  }
0x20: {  	s15 =	simm.s32 $0x200;
	[sflag:s11] =	ssyncset.done $0x0  }
.LBB2_2:
0x21: {  	s16 =	sshra.s32 s15, $0x2;
	[sflag:s11] =	ssyncadd.s32 $0xFFFFFF80;
	p0 =	sne.s32 s15, $0x9E00  }
0x22: {  	[spmem:s2] =	stream.indirect.scatter.add.f32 [tilespmem:s12], [sflag:$0x1], $0x1, s16, s13, $0xb8;
	[tilespmem:$0x2D80] =	vst v63  }
.Ltmp0:
0x23: {  	_ = 	snop;
	(pc) =	sbr.rel @p0 .LBB2_2-.Ltmp0, $4  }
0x24: {  	_ = 	snop  }
0x25: {  	s15 =	sadd.s32 $0x200, s15  }
0x26: {  	_ =	swait.ge [sflag:s11], $0x80  }
0x27: {  	[sflag:s11] =	ssyncset.done $0x0  }
0x28: {  	[sflag:s11] =	ssyncadd.s32 $0xFFFFFF80  }
0x29: {  	[bflag:$0x0] =	sbarrier.arrive $0xFFFF  }
0x2a: {  	[tilespmem:s10], [sflag:$0x1] =	stream.linear.gather [spmem:s6], $0x280, $0x38;
	[tilespmem:$0x2D80] =	vst v63  }
0x2b: {  	s14 =	sadd.s32 $0x1, s14;
	_ =	swait.ge [sflag:s11], $0x280  }
0x2c: {  	p0 =	sne.s32 s14, s9;
	[sflag:s11] =	ssyncset.done $0x0  }
.Ltmp1:
0x2d: {  	[sflag:s11] =	ssyncadd.s32 $0xFFFFFD80;
	(pc) =	sbr.rel @p0 .LBB2_1-.Ltmp1, $4  }
0x2e: {  	[hbm4b:s8+s3] =	stream.linear.scatter [tilespmem:s10], [sflag:$0x1], $0x280, $0x38;
	[tilespmem:$0x2D80] =	vst v63  }
0x2f: {  	_ =	swait.ge [sflag:s11], $0x280  }
0x30: {  	[sflag:s11] =	ssyncset.done $0x0  }
0x31: {  	[sflag:s11] =	ssyncadd.s32 $0xFFFFFD80  }
0x32: {  	_ =	sfence.sel $0x180000  }
0x33: {  	[bflag:$0x0] =	sbarrier.arrive $0xFFFF  }
0x34: {  	p0 =	sne.s32 s0, $0x0;
	_ =	strace $0x90000047  }
0x35: {  	s0 =	sadd.s32 @!p0 $0x100000, s1;
	[bflag:$0x2] =	sbarrier.arrive $0xFFFF  }
0x36: {  	[sflag:s0] =	ssyncadd.tile.s32 @!p0 $0x1;
	_ =	shalt  }
.Lfunc_end2:
_tile_overlayer_lowered:
.L_overlay_start_2:
0x37: {  	(tag) =	ssettag $0x2  }
0x38: {  	s0 =	rddreg [dreg:$0x0];
	s2 =	stileid.u32  }
0x39: {  	s1 =	rddreg [dreg:$0x1];
	p0 =	sne.s32 s2, $0x0  }
0x3a: {  	s3 =	rddreg [dreg:$0x2];
	[bflag:$0x3] =	sbarrier.arrive $0xFFFF;
	s2 =	simm.s32 @!p0 $0x1C01  }
0x3b: {  	[timem:s3], [sflag:s2] =	dma.local @!p0 [hbm:s0], s1  }
0x3c: {  	s0 =	simm.s32 @!p0 $0x1  }
0x3d: {  	_ =	swait.ge @!p0 [sflag:s0], s1  }
0x3e: {  	s1 =	ssub.s32 @!p0 $0x0, s1;
	[sflag:s0] =	ssyncset.done @!p0 $0x0  }
0x3f: {  	[sflag:s0] =	ssyncadd.s32 @!p0 s1  }
0x40: {  	[bflag:$0x3] =	sbarrier.arrive $0xFFFF  }
0x41: {  	_ =	shalt  }

</sc_bundles>
